<compile_context>
chip_gen: v7x
topology: tpu7x:2x2x1
jax: 0.10.2.dev20260603
libtpu: 0.0.44.dev20260713+nightly
codegen_flags: <defaults>
</compile_context>

<pallas_src>
import functools

import jax
import jax.numpy as jnp
from jax import lax
from jax.experimental import pallas as pl
from jax.experimental.pallas import tpu as pltpu
from jax.experimental.pallas import tpu_sc as plsc

NN = 10000
NNP = 10240
EE = 160000
HH = 512
NF = 4
NC = 2
NS = 16
NW = NC * NS
LN = 16
EPT = EE // NW
EBUF = 5008
EWIN = 5376
EIBUF = 5504
EILAST = EE - EWIN
CHF = EPT // LN
TAIL = EPT - CHF * LN
NB = 2048


def _prep_body(x_ref, ea2_ref, wg_ref, asrc_ref, adst_ref, wedge_ref,
               aedge_ref, xt_out, ad_out, aself_out, consts_out):
    x = x_ref[...]
    wg = wg_ref[...]
    vs = jnp.sum(wg * asrc_ref[...][None, :], axis=1)
    vd = jnp.sum(wg * adst_ref[...][None, :], axis=1)
    c_e = jnp.sum(wedge_ref[...][0, :] * aedge_ref[...])
    xt = lax.dot_general(jnp.eye(NF, dtype=jnp.float32), x,
                         (((1,), (1,)), ((), ())),
                         preferred_element_type=jnp.float32)
    xtp = jnp.concatenate(
        [xt, jnp.zeros((NF, NNP - NN), jnp.float32)], axis=1)
    a_s = (vs[0] * xtp[0] + vs[1] * xtp[1]
           + vs[2] * xtp[2] + vs[3] * xtp[3])
    a_d = (vd[0] * xtp[0] + vd[1] * xtp[1]
           + vd[2] * xtp[2] + vd[3] * xtp[3])
    ea2 = ea2_ref[...]
    mean_ea = jnp.sum(ea2) / EE
    asl = a_s + a_d + c_e * mean_ea
    asl = jnp.where(asl > 0, asl, 0.2 * asl)
    ub = jnp.max(a_s) + jnp.max(a_d) + jnp.max(c_e * ea2)
    gub = jnp.maximum(jnp.where(ub > 0, ub, 0.2 * ub), jnp.max(asl))
    xt_out[...] = xtp
    ad_out[...] = a_d
    aself_out[...] = asl
    rows = [jnp.full((128,), c_e, jnp.float32),
            jnp.full((128,), gub, jnp.float32),
            jnp.full((128,), vs[0], jnp.float32),
            jnp.full((128,), vs[1], jnp.float32),
            jnp.full((128,), vs[2], jnp.float32),
            jnp.full((128,), vs[3], jnp.float32),
            jnp.zeros((128,), jnp.float32),
            jnp.zeros((128,), jnp.float32)]
    consts_out[...] = jnp.stack(rows)


def _prep(x, ea2, w_gat, att_src, att_dst, w_edge, att_edge):
    return pl.pallas_call(
        _prep_body,
        out_shape=(jax.ShapeDtypeStruct((NF, NNP), jnp.float32),
                   jax.ShapeDtypeStruct((NNP,), jnp.float32),
                   jax.ShapeDtypeStruct((NNP,), jnp.float32),
                   jax.ShapeDtypeStruct((8, 128), jnp.float32)),
    )(x, ea2, w_gat, att_src, att_dst, w_edge, att_edge)


def _gat_edges_body(sd_hbm, ea_hbm, ad_hbm, xt_hbm, consts_hbm,
                    denomp, nump, degp,
                    ad_t, x0_t, x1_t, x2_t, x3_t,
                    den_a, n0_a, n1_a, n2_a, n3_a, deg_a,
                    src_b, dst_b, ea_b, consts_v, sem_t, sem_e):
    wid = lax.axis_index("c") * NS + lax.axis_index("s")
    base = wid * EPT

    ecs = (pltpu.async_copy(sd_hbm.at[pl.ds(base, EPT)],
                            src_b.at[pl.ds(0, EPT)], sem_e),
           pltpu.async_copy(sd_hbm.at[pl.ds(EE + base, EPT)],
                            dst_b.at[pl.ds(0, EPT)], sem_e),
           pltpu.async_copy(ea_hbm.at[pl.ds(base, EPT)],
                            ea_b.at[pl.ds(0, EPT)], sem_e))
    tcs = (pltpu.async_copy(ad_hbm, ad_t, sem_t),
           pltpu.async_copy(xt_hbm.at[0], x0_t, sem_t),
           pltpu.async_copy(xt_hbm.at[1], x1_t, sem_t),
           pltpu.async_copy(xt_hbm.at[2], x2_t, sem_t),
           pltpu.async_copy(xt_hbm.at[3], x3_t, sem_t),
           pltpu.async_copy(consts_hbm, consts_v, sem_t))

    @plsc.parallel_loop(0, NNP // LN, unroll=8)
    def _(j):
        z = jnp.zeros((LN,), jnp.float32)
        for r in (den_a, n0_a, n1_a, n2_a, n3_a, deg_a):
            r[pl.ds(j * LN, LN)] = z

    for t in tcs + ecs:
        t.wait()
    c_e = consts_v[0, pl.ds(0, LN)]
    gub = consts_v[1, pl.ds(0, LN)]
    vs0 = consts_v[2, pl.ds(0, LN)]
    vs1 = consts_v[3, pl.ds(0, LN)]
    vs2 = consts_v[4, pl.ds(0, LN)]
    vs3 = consts_v[5, pl.ds(0, LN)]

    def chunk(i, mask):
        s = src_b[pl.ds(i * LN, LN)]
        d = dst_b[pl.ds(i * LN, LN)]
        e = ea_b[pl.ds(i * LN, LN)]
        x0 = plsc.load_gather(x0_t, [s], mask=mask)
        x1 = plsc.load_gather(x1_t, [s], mask=mask)
        x2 = plsc.load_gather(x2_t, [s], mask=mask)
        x3 = plsc.load_gather(x3_t, [s], mask=mask)
        adv = plsc.load_gather(ad_t, [d], mask=mask)
        al = x0 * vs0 + x1 * vs1 + x2 * vs2 + x3 * vs3 + adv + c_e * e
        al = jnp.where(al > 0, al, 0.2 * al)
        ae = jnp.exp(al - gub)
        plsc.addupdate_scatter(den_a, [d], ae, mask=mask)
        plsc.addupdate_scatter(n0_a, [d], ae * x0, mask=mask)
        plsc.addupdate_scatter(n1_a, [d], ae * x1, mask=mask)
        plsc.addupdate_scatter(n2_a, [d], ae * x2, mask=mask)
        plsc.addupdate_scatter(n3_a, [d], ae * x3, mask=mask)
        plsc.addupdate_scatter(deg_a, [d], e, mask=mask)

    @plsc.parallel_loop(0, CHF, unroll=4)
    def _(i):
        chunk(i, None)

    chunk(CHF, lax.iota(jnp.int32, LN) < TAIL)

    pltpu.sync_copy(den_a, denomp.at[wid])
    pltpu.sync_copy(n0_a, nump.at[0, wid])
    pltpu.sync_copy(n1_a, nump.at[1, wid])
    pltpu.sync_copy(n2_a, nump.at[2, wid])
    pltpu.sync_copy(n3_a, nump.at[3, wid])
    pltpu.sync_copy(deg_a, degp.at[wid])


def _gat_edges(ei, ea, ad_arr, xt, consts):
    f = functools.partial(
        pl.kernel,
        out_type=(jax.ShapeDtypeStruct((NW, NNP), jnp.float32),
                  jax.ShapeDtypeStruct((NF, NW, NNP), jnp.float32),
                  jax.ShapeDtypeStruct((NW, NNP), jnp.float32)),
        mesh=plsc.VectorSubcoreMesh(core_axis_name="c", subcore_axis_name="s",
                                    num_cores=NC, num_subcores=NS),
        compiler_params=pltpu.CompilerParams(needs_layout_passes=False),
        scratch_types=[
            pltpu.VMEM((NNP,), jnp.float32),
            pltpu.VMEM((NNP,), jnp.float32),
            pltpu.VMEM((NNP,), jnp.float32),
            pltpu.VMEM((NNP,), jnp.float32),
            pltpu.VMEM((NNP,), jnp.float32),
            pltpu.VMEM((NNP,), jnp.float32),
            pltpu.VMEM((NNP,), jnp.float32),
            pltpu.VMEM((NNP,), jnp.float32),
            pltpu.VMEM((NNP,), jnp.float32),
            pltpu.VMEM((NNP,), jnp.float32),
            pltpu.VMEM((NNP,), jnp.float32),
            pltpu.VMEM((EBUF,), jnp.int32),
            pltpu.VMEM((EBUF,), jnp.int32),
            pltpu.VMEM((EBUF,), jnp.float32),
            pltpu.VMEM((8, 128), jnp.float32),
            pltpu.SemaphoreType.DMA,
            pltpu.SemaphoreType.DMA,
        ],
    )(_gat_edges_body)
    return f(ei, ea, ad_arr, xt, consts)


def _mid_body(degp_ref, denomp_ref, nump_ref, aself_ref, xt_ref, consts_ref,
              wg_ref, bg_ref, pa_ref, wgcn_ref, g_out, dinv_out, sp_out):
    deg = jnp.sum(degp_ref[...], axis=0) + 1.0
    dinv = lax.rsqrt(deg)
    gub = consts_ref[...][1, 0]
    es = jnp.exp(aself_ref[...] - gub)
    denom = jnp.sum(denomp_ref[...], axis=0) + es
    numt = jnp.sum(nump_ref[...], axis=1) + es[None, :] * xt_ref[...]
    acc4 = numt / (denom + 1e-16)[None, :]
    x1 = lax.dot_general(acc4, wg_ref[...], (((0,), (0,)), ((), ())),
                         preferred_element_type=jnp.float32)
    x1 = x1 + bg_ref[...][None, :]
    pa = pa_ref[...][0, 0]
    x2 = jnp.where(x1 > 0, x1, pa * x1)
    h2 = jnp.sum(x2 * wgcn_ref[...][:, 0][None, :], axis=1)
    g_out[...] = dinv * h2
    dinv_out[...] = dinv
    sp_out[...] = dinv * dinv * h2


def _mid(degp, denomp, nump, aself, xt, consts, w_gat, b_gat, pa, w_gcn):
    grid = NNP // NB
    return pl.pallas_call(
        _mid_body,
        grid=(grid,),
        in_specs=[
            pl.BlockSpec((NW, NB), lambda i: (0, i)),
            pl.BlockSpec((NW, NB), lambda i: (0, i)),
            pl.BlockSpec((NF, NW, NB), lambda i: (0, 0, i)),
            pl.BlockSpec((NB,), lambda i: (i,)),
            pl.BlockSpec((NF, NB), lambda i: (0, i)),
            pl.BlockSpec((8, 128), lambda i: (0, 0)),
            pl.BlockSpec((NF, HH), lambda i: (0, 0)),
            pl.BlockSpec((HH,), lambda i: (0,)),
            pl.BlockSpec((1, 1), lambda i: (0, 0)),
            pl.BlockSpec((HH, 1), lambda i: (0, 0)),
        ],
        out_specs=[
            pl.BlockSpec((NB,), lambda i: (i,)),
            pl.BlockSpec((NB,), lambda i: (i,)),
            pl.BlockSpec((NB,), lambda i: (i,)),
        ],
        out_shape=(jax.ShapeDtypeStruct((NNP,), jnp.float32),
                   jax.ShapeDtypeStruct((NNP,), jnp.float32),
                   jax.ShapeDtypeStruct((NNP,), jnp.float32)),
    )(degp, denomp, nump, aself, xt, consts, w_gat, b_gat, pa, w_gcn)


def _gcn_edges_body(sd_hbm, ea_hbm, g_hbm, accp,
                    g_t, acc_a, src_b, dst_b, ea_b, sem_t, sem_e):
    wid = lax.axis_index("c") * NS + lax.axis_index("s")
    base = wid * EPT

    ecs = (pltpu.async_copy(sd_hbm.at[pl.ds(base, EPT)],
                            src_b.at[pl.ds(0, EPT)], sem_e),
           pltpu.async_copy(sd_hbm.at[pl.ds(EE + base, EPT)],
                            dst_b.at[pl.ds(0, EPT)], sem_e),
           pltpu.async_copy(ea_hbm.at[pl.ds(base, EPT)],
                            ea_b.at[pl.ds(0, EPT)], sem_e))
    tc = pltpu.async_copy(g_hbm, g_t, sem_t)

    @plsc.parallel_loop(0, NNP // LN, unroll=8)
    def _(j):
        acc_a[pl.ds(j * LN, LN)] = jnp.zeros((LN,), jnp.float32)

    tc.wait()
    for dsc in ecs:
        dsc.wait()

    def chunk(i, mask):
        s = src_b[pl.ds(i * LN, LN)]
        d = dst_b[pl.ds(i * LN, LN)]
        e = ea_b[pl.ds(i * LN, LN)]
        gv = plsc.load_gather(g_t, [s], mask=mask)
        plsc.addupdate_scatter(acc_a, [d], e * gv, mask=mask)

    @plsc.parallel_loop(0, CHF, unroll=8)
    def _(i):
        chunk(i, None)

    chunk(CHF, lax.iota(jnp.int32, LN) < TAIL)

    pltpu.sync_copy(acc_a, accp.at[wid])


def _gcn_edges(ei, ea, g):
    f = functools.partial(
        pl.kernel,
        out_type=jax.ShapeDtypeStruct((NW, NNP), jnp.float32),
        mesh=plsc.VectorSubcoreMesh(core_axis_name="c", subcore_axis_name="s",
                                    num_cores=NC, num_subcores=NS),
        compiler_params=pltpu.CompilerParams(needs_layout_passes=False),
        scratch_types=[
            pltpu.VMEM((NNP,), jnp.float32),
            pltpu.VMEM((NNP,), jnp.float32),
            pltpu.VMEM((EBUF,), jnp.int32),
            pltpu.VMEM((EBUF,), jnp.int32),
            pltpu.VMEM((EBUF,), jnp.float32),
            pltpu.SemaphoreType.DMA,
            pltpu.SemaphoreType.DMA,
        ],
    )(_gcn_edges_body)
    return f(ei, ea, g)


def _final_body(accp_ref, dinv_ref, sp_ref, bgcn_ref, out_ref):
    acc = jnp.sum(accp_ref[...], axis=0)
    res = jax.nn.sigmoid(dinv_ref[...] * acc + sp_ref[...]
                         + bgcn_ref[...][0, 0])
    out_ref[...] = res[:NN]


def _final(accp, dinv, sp, b_gcn):
    return pl.pallas_call(
        _final_body,
        out_shape=jax.ShapeDtypeStruct((NN,), jnp.float32),
    )(accp, dinv, sp, b_gcn)


def kernel(x, edge_index, edge_attr, batch, W_gat, att_src, att_dst, W_edge,
           att_edge, b_gat, prelu_a, W_gcn, b_gcn):
    ea2 = edge_attr.reshape(EE // 128, 128)
    sd = edge_index.reshape(2 * EE)
    xt, ad_arr, aself, consts = _prep(x, ea2, W_gat, att_src, att_dst,
                                      W_edge, att_edge)
    denomp, nump, degp = _gat_edges(sd, edge_attr, ad_arr, xt, consts)
    g, dinv, sp = _mid(degp, denomp, nump, aself, xt, consts,
                       W_gat, b_gat, prelu_a.reshape(1, 1), W_gcn)
    accp = _gcn_edges(sd, edge_attr, g)
    out = _final(accp, dinv, sp, b_gcn.reshape(1, 1))
    return out.reshape(NN, 1)

# --- scband reference (transcript-rebuilt; emitter-appended) ---
"""Pipeline reference for scband-gcn-scheduling-19765439496608 (READ-ONLY COPY).

The authoritative reference and input builder live on the scoring server;
editing this copy changes nothing except your own understanding.
"""

import jax, jax.numpy as jnp
import numpy as np

N = 10000
E = 160000
H = 512
NFEAT = 4


def setup_inputs(seed: int = 0):
    key = jax.random.key(seed)
    ks = jax.random.split(key, 12)
    x = jax.random.normal(ks[0], (N, NFEAT), dtype=jnp.float32)
    edge_index = jax.random.randint(ks[1], (2, E), 0, N, dtype=jnp.int32)
    edge_attr = jax.random.uniform(ks[2], (E,), dtype=jnp.float32)
    batch = jnp.zeros((N,), dtype=jnp.int32)
    s_in = 1.0 / np.sqrt(NFEAT)
    s_h = 1.0 / np.sqrt(H)
    W_gat = jax.random.uniform(ks[3], (NFEAT, H), minval=-s_in, maxval=s_in, dtype=jnp.float32)
    att_src = jax.random.uniform(ks[4], (H,), minval=-s_h, maxval=s_h, dtype=jnp.float32)
    att_dst = jax.random.uniform(ks[5], (H,), minval=-s_h, maxval=s_h, dtype=jnp.float32)
    W_edge = jax.random.uniform(ks[6], (1, H), minval=-1.0, maxval=1.0, dtype=jnp.float32)
    att_edge = jax.random.uniform(ks[7], (H,), minval=-s_h, maxval=s_h, dtype=jnp.float32)
    b_gat = jnp.zeros((H,), dtype=jnp.float32)
    prelu_a = jnp.array(0.25, dtype=jnp.float32)
    W_gcn = jax.random.uniform(ks[8], (H, 1), minval=-s_h, maxval=s_h, dtype=jnp.float32)
    b_gcn = jnp.zeros((1,), dtype=jnp.float32)
    return {"x": x, "edge_index": edge_index, "edge_attr": edge_attr, "batch": batch,
            "W_gat": W_gat, "att_src": att_src, "att_dst": att_dst, "W_edge": W_edge,
            "att_edge": att_edge, "b_gat": b_gat, "prelu_a": prelu_a, "W_gcn": W_gcn, "b_gcn": b_gcn}


def reference(x, edge_index, edge_attr, batch, W_gat, att_src, att_dst, W_edge, att_edge, b_gat, prelu_a, W_gcn, b_gcn):
    # add self loops (PyG default for both GATConv and GCNConv)
    loop = jnp.arange(N, dtype=edge_index.dtype)
    src = jnp.concatenate([edge_index[0], loop])
    dst = jnp.concatenate([edge_index[1], loop])
    # --- GATConv(4, H) with 1-dim edge_attr (edge_dim=1); self-loop edge_attr fill='mean' ---
    ea = jnp.concatenate([edge_attr, jnp.full((N,), jnp.mean(edge_attr), dtype=jnp.float32)])
    h = x @ W_gat  # [N, H]
    a_s = (h * att_src).sum(-1)
    a_d = (h * att_dst).sum(-1)
    eh = ea[:, None] * W_edge[0][None, :]  # lin_edge on [E+N, 1]
    a_e = (eh * att_edge).sum(-1)
    alpha = a_s[src] + a_d[dst] + a_e
    alpha = jnp.where(alpha > 0, alpha, 0.2 * alpha)  # leaky_relu(0.2)
    amax = jax.lax.stop_gradient(jax.ops.segment_max(alpha, dst, num_segments=N))
    aexp = jnp.exp(alpha - amax[dst])
    denom = jax.ops.segment_sum(aexp, dst, num_segments=N)
    coef = aexp / (denom[dst] + 1e-16)
    x1 = jax.ops.segment_sum(coef[:, None] * h[src], dst, num_segments=N) + b_gat
    # --- PReLU ---
    x2 = jnp.where(x1 > 0, x1, prelu_a * x1)
    # --- dropout: identity in eval mode ---
    x3 = x2
    # --- GCNConv(H, 1) with edge_weight, self-loop weight 1, sym normalization ---
    w = jnp.concatenate([edge_attr, jnp.ones((N,), dtype=jnp.float32)])
    deg = jax.ops.segment_sum(w, dst, num_segments=N)
    dinv = jnp.where(deg > 0, 1.0 / jnp.sqrt(deg), 0.0)
    norm = dinv[src] * w * dinv[dst]
    h2 = x3 @ W_gcn  # [N, 1]
    x4 = jax.ops.segment_sum(norm[:, None] * h2[src], dst, num_segments=N) + b_gcn
    # --- sigmoid ---
    return jax.nn.sigmoid(x4)

if __name__ == "__main__":
    import jax
    _d = setup_inputs()
    print(jax.jit(kernel)(*tuple(_d.values())))

</pallas_src>

<mosaic_0001>
#map = affine_map<(d0, d1) -> (0)>
#map1 = affine_map<(d0, d1) -> (0, 0)>
module attributes {stable_mosaic.version = 14 : i64} {
  func.func @_gcn_edges_body(%arg0: i32, %arg1: i32, %arg2: memref<320000xi32, #tpu.memory_space<hbm>>, %arg3: memref<160000xf32, #tpu.memory_space<hbm>>, %arg4: memref<10240xf32, #tpu.memory_space<hbm>>, %arg5: memref<32x10240xf32, #tpu.memory_space<hbm>>, %arg6: memref<10240xf32, #tpu.memory_space<vmem>>, %arg7: memref<10240xf32, #tpu.memory_space<vmem>>, %arg8: memref<5008xi32, #tpu.memory_space<vmem>>, %arg9: memref<5008xi32, #tpu.memory_space<vmem>>, %arg10: memref<5008xf32, #tpu.memory_space<vmem>>, %arg11: memref<!tpu.dma_semaphore, #tpu.memory_space<semaphore_mem>>, %arg12: memref<!tpu.dma_semaphore, #tpu.memory_space<semaphore_mem>>) attributes {dimension_semantics = [#tpu.dimension_semantics<core_parallel>, #tpu.dimension_semantics<subcore_parallel>], iteration_bounds = array<i64: 2, 16>, scalar_prefetch = 0 : i64, scratch_operands = 7 : i64, tpu.core_type = #tpu.core_type<sc_vector_subcore>, window_params = [{transform_indices = #map}, {transform_indices = #map}, {transform_indices = #map}, {transform_indices = #map1}]} {
    %mul3A = arith.constant 16 : i32
    %mul3A_0 = arith.muli %arg0, %mul3A : i32
    %add3A = arith.addi %mul3A_0, %arg1 : i32
    %mul3A_1 = arith.constant 5000 : i32
    %mul3A_2 = arith.muli %add3A, %mul3A_1 : i32
    %dma_start3A = arith.constant 0 : i32
    %dma_start3A_3 = tpu.memref_slice %arg8[%dma_start3A] : memref<5008xi32, #tpu.memory_space<vmem>> -> memref<5000xi32, #tpu.memory_space<vmem>>
    %dma_start3A_4 = tpu.memref_slice %arg2[%mul3A_2] : memref<320000xi32, #tpu.memory_space<hbm>> -> memref<5000xi32, #tpu.memory_space<hbm>>
    %dma_start3A_5 = arith.constant 0 : i32
    %dma_start3A_6 = tpu.memref_slice %arg8[%dma_start3A_5] : memref<5008xi32, #tpu.memory_space<vmem>> -> memref<5000xi32, #tpu.memory_space<vmem>>
    %dma_start3A_7 = tpu.memref_slice %arg2[%mul3A_2] : memref<320000xi32, #tpu.memory_space<hbm>> -> memref<5000xi32, #tpu.memory_space<hbm>>
    tpu.enqueue_dma source(%dma_start3A_7 : memref<5000xi32, #tpu.memory_space<hbm>>) target(%dma_start3A_6 : memref<5000xi32, #tpu.memory_space<vmem>>) target_semaphore(%arg12 : memref<!tpu.dma_semaphore, #tpu.memory_space<semaphore_mem>>)
    %add3A_8 = arith.constant 160000 : i32
    %add3A_9 = arith.addi %add3A_8, %mul3A_2 : i32
    %dma_start3A_10 = arith.constant 0 : i32
    %dma_start3A_11 = tpu.memref_slice %arg9[%dma_start3A_10] : memref<5008xi32, #tpu.memory_space<vmem>> -> memref<5000xi32, #tpu.memory_space<vmem>>
    %dma_start3A_12 = tpu.memref_slice %arg2[%add3A_9] : memref<320000xi32, #tpu.memory_space<hbm>> -> memref<5000xi32, #tpu.memory_space<hbm>>
    %dma_start3A_13 = arith.constant 0 : i32
    %dma_start3A_14 = tpu.memref_slice %arg9[%dma_start3A_13] : memref<5008xi32, #tpu.memory_space<vmem>> -> memref<5000xi32, #tpu.memory_space<vmem>>
    %dma_start3A_15 = tpu.memref_slice %arg2[%add3A_9] : memref<320000xi32, #tpu.memory_space<hbm>> -> memref<5000xi32, #tpu.memory_space<hbm>>
    tpu.enqueue_dma source(%dma_start3A_15 : memref<5000xi32, #tpu.memory_space<hbm>>) target(%dma_start3A_14 : memref<5000xi32, #tpu.memory_space<vmem>>) target_semaphore(%arg12 : memref<!tpu.dma_semaphore, #tpu.memory_space<semaphore_mem>>)
    %dma_start3A_16 = arith.constant 0 : i32
    %dma_start3A_17 = tpu.memref_slice %arg10[%dma_start3A_16] : memref<5008xf32, #tpu.memory_space<vmem>> -> memref<5000xf32, #tpu.memory_space<vmem>>
    %dma_start3A_18 = tpu.memref_slice %arg3[%mul3A_2] : memref<160000xf32, #tpu.memory_space<hbm>> -> memref<5000xf32, #tpu.memory_space<hbm>>
    %dma_start3A_19 = arith.constant 0 : i32
    %dma_start3A_20 = tpu.memref_slice %arg10[%dma_start3A_19] : memref<5008xf32, #tpu.memory_space<vmem>> -> memref<5000xf32, #tpu.memory_space<vmem>>
    %dma_start3A_21 = tpu.memref_slice %arg3[%mul3A_2] : memref<160000xf32, #tpu.memory_space<hbm>> -> memref<5000xf32, #tpu.memory_space<hbm>>
    tpu.enqueue_dma source(%dma_start3A_21 : memref<5000xf32, #tpu.memory_space<hbm>>) target(%dma_start3A_20 : memref<5000xf32, #tpu.memory_space<vmem>>) target_semaphore(%arg12 : memref<!tpu.dma_semaphore, #tpu.memory_space<semaphore_mem>>)
    tpu.enqueue_dma source(%arg4 : memref<10240xf32, #tpu.memory_space<hbm>>) target(%arg6 : memref<10240xf32, #tpu.memory_space<vmem>>) target_semaphore(%arg11 : memref<!tpu.dma_semaphore, #tpu.memory_space<semaphore_mem>>)
    %parallel_loop3A = arith.constant 0 : i32
    %parallel_loop3A_22 = arith.constant 640 : i32
    %parallel_loop3A_23 = arith.constant 1 : i32
    scf.for %parallel_loop3A_52 = %parallel_loop3A to %parallel_loop3A_22 step %parallel_loop3A_23  : i32 {
      %parallel_loop3A_53 = arith.constant 0.000000e+00 : f32
      %parallel_loop3A_54 = vector.broadcast %parallel_loop3A_53 : f32 to vector<16xf32>
      %parallel_loop3A_55 = arith.constant 16 : i32
      %parallel_loop3A_56 = arith.muli %parallel_loop3A_52, %parallel_loop3A_55 : i32
      %parallel_loop3A_57 = arith.index_cast %parallel_loop3A_56 : i32 to index
      %parallel_loop3A_58 = tpu.vector_load %arg7[%parallel_loop3A_57] {strides = array<i32>} : memref<10240xf32, #tpu.memory_space<vmem>>, vector<16xf32>,
      tpu.vector_store %arg7[%parallel_loop3A_57], %parallel_loop3A_54 {strides = array<i32>} : memref<10240xf32, #tpu.memory_space<vmem>>, vector<16xf32>,
    } {sc.loop_unroll_factor = 8 : i64, sc.parallel_access}
    tpu.wait_dma2 semaphore(%arg11 : memref<!tpu.dma_semaphore, #tpu.memory_space<semaphore_mem>>) src(%arg4 : memref<10240xf32, #tpu.memory_space<hbm>>) dst(%arg6 : memref<10240xf32, #tpu.memory_space<vmem>>)
    %dma_wait3A = arith.constant 0 : i32
    %dma_wait3A_24 = tpu.memref_slice %arg8[%dma_wait3A] : memref<5008xi32, #tpu.memory_space<vmem>> -> memref<5000xi32, #tpu.memory_space<vmem>>
    %dma_wait3A_25 = tpu.memref_slice %arg2[%mul3A_2] : memref<320000xi32, #tpu.memory_space<hbm>> -> memref<5000xi32, #tpu.memory_space<hbm>>
    %dma_wait3A_26 = arith.constant 0 : i32
    %dma_wait3A_27 = tpu.memref_slice %arg8[%dma_wait3A_26] : memref<5008xi32, #tpu.memory_space<vmem>> -> memref<5000xi32, #tpu.memory_space<vmem>>
    %dma_wait3A_28 = tpu.memref_slice %arg2[%mul3A_2] : memref<320000xi32, #tpu.memory_space<hbm>> -> memref<5000xi32, #tpu.memory_space<hbm>>
    tpu.wait_dma2 semaphore(%arg12 : memref<!tpu.dma_semaphore, #tpu.memory_space<semaphore_mem>>) src(%dma_wait3A_28 : memref<5000xi32, #tpu.memory_space<hbm>>) dst(%dma_wait3A_27 : memref<5000xi32, #tpu.memory_space<vmem>>)
    %dma_wait3A_29 = arith.constant 0 : i32
    %dma_wait3A_30 = tpu.memref_slice %arg9[%dma_wait3A_29] : memref<5008xi32, #tpu.memory_space<vmem>> -> memref<5000xi32, #tpu.memory_space<vmem>>
    %dma_wait3A_31 = tpu.memref_slice %arg2[%add3A_9] : memref<320000xi32, #tpu.memory_space<hbm>> -> memref<5000xi32, #tpu.memory_space<hbm>>
    %dma_wait3A_32 = arith.constant 0 : i32
    %dma_wait3A_33 = tpu.memref_slice %arg9[%dma_wait3A_32] : memref<5008xi32, #tpu.memory_space<vmem>> -> memref<5000xi32, #tpu.memory_space<vmem>>
    %dma_wait3A_34 = tpu.memref_slice %arg2[%add3A_9] : memref<320000xi32, #tpu.memory_space<hbm>> -> memref<5000xi32, #tpu.memory_space<hbm>>
    tpu.wait_dma2 semaphore(%arg12 : memref<!tpu.dma_semaphore, #tpu.memory_space<semaphore_mem>>) src(%dma_wait3A_34 : memref<5000xi32, #tpu.memory_space<hbm>>) dst(%dma_wait3A_33 : memref<5000xi32, #tpu.memory_space<vmem>>)
    %dma_wait3A_35 = arith.constant 0 : i32
    %dma_wait3A_36 = tpu.memref_slice %arg10[%dma_wait3A_35] : memref<5008xf32, #tpu.memory_space<vmem>> -> memref<5000xf32, #tpu.memory_space<vmem>>
    %dma_wait3A_37 = tpu.memref_slice %arg3[%mul3A_2] : memref<160000xf32, #tpu.memory_space<hbm>> -> memref<5000xf32, #tpu.memory_space<hbm>>
    %dma_wait3A_38 = arith.constant 0 : i32
    %dma_wait3A_39 = tpu.memref_slice %arg10[%dma_wait3A_38] : memref<5008xf32, #tpu.memory_space<vmem>> -> memref<5000xf32, #tpu.memory_space<vmem>>
    %dma_wait3A_40 = tpu.memref_slice %arg3[%mul3A_2] : memref<160000xf32, #tpu.memory_space<hbm>> -> memref<5000xf32, #tpu.memory_space<hbm>>
    tpu.wait_dma2 semaphore(%arg12 : memref<!tpu.dma_semaphore, #tpu.memory_space<semaphore_mem>>) src(%dma_wait3A_40 : memref<5000xf32, #tpu.memory_space<hbm>>) dst(%dma_wait3A_39 : memref<5000xf32, #tpu.memory_space<vmem>>)
    %parallel_loop3A_41 = arith.constant 0 : i32
    %parallel_loop3A_42 = arith.constant 312 : i32
    %parallel_loop3A_43 = arith.constant 1 : i32
    scf.for %parallel_loop3A_52 = %parallel_loop3A_41 to %parallel_loop3A_42 step %parallel_loop3A_43  : i32 {
      %parallel_loop3A_53 = arith.constant 16 : i32
      %parallel_loop3A_54 = arith.muli %parallel_loop3A_52, %parallel_loop3A_53 : i32
      %parallel_loop3A_55 = arith.index_cast %parallel_loop3A_54 : i32 to index
      %parallel_loop3A_56 = tpu.vector_load %arg8[%parallel_loop3A_55] {strides = array<i32>} : memref<5008xi32, #tpu.memory_space<vmem>>, vector<16xi32>,
      %parallel_loop3A_57 = arith.constant 16 : i32
      %parallel_loop3A_58 = arith.muli %parallel_loop3A_52, %parallel_loop3A_57 : i32
      %parallel_loop3A_59 = arith.index_cast %parallel_loop3A_58 : i32 to index
      %parallel_loop3A_60 = tpu.vector_load %arg9[%parallel_loop3A_59] {strides = array<i32>} : memref<5008xi32, #tpu.memory_space<vmem>>, vector<16xi32>,
      %parallel_loop3A_61 = arith.constant 16 : i32
      %parallel_loop3A_62 = arith.muli %parallel_loop3A_52, %parallel_loop3A_61 : i32
      %parallel_loop3A_63 = arith.index_cast %parallel_loop3A_62 : i32 to index
      %parallel_loop3A_64 = tpu.vector_load %arg10[%parallel_loop3A_63] {strides = array<i32>} : memref<5008xf32, #tpu.memory_space<vmem>>, vector<16xf32>,
      %parallel_loop3A_65 = tpu.vector_load_idx %arg6[%parallel_loop3A_56] : memref<10240xf32, #tpu.memory_space<vmem>>[vector<16xi32>], vector<16xf32>,
      %parallel_loop3A_66 = arith.mulf %parallel_loop3A_64, %parallel_loop3A_65 : vector<16xf32>
      tpu.vector_store_idx %arg7[%parallel_loop3A_60], %parallel_loop3A_66 {add = true} : memref<10240xf32, #tpu.memory_space<vmem>>[vector<16xi32>], vector<16xf32>,
    } {sc.loop_unroll_factor = 8 : i64, sc.parallel_access}
    %iota3A = tpu.iota {dimensions = array<i32: 0>} : vector<16xi32>
    %lt3A = arith.constant 8 : i32
    %lt3A_44 = vector.broadcast %lt3A : i32 to vector<16xi32>
    %lt3A_45 = arith.cmpi slt, %iota3A, %lt3A_44 : vector<16xi32>
    %get3A = arith.constant 4992 : index
    %get3A_46 = tpu.vector_load %arg8[%get3A] {strides = array<i32>} : memref<5008xi32, #tpu.memory_space<vmem>>, vector<16xi32>,
    %get3A_47 = arith.constant 4992 : index
    %get3A_48 = tpu.vector_load %arg9[%get3A_47] {strides = array<i32>} : memref<5008xi32, #tpu.memory_space<vmem>>, vector<16xi32>,
    %get3A_49 = arith.constant 4992 : index
    %get3A_50 = tpu.vector_load %arg10[%get3A_49] {strides = array<i32>} : memref<5008xf32, #tpu.memory_space<vmem>>, vector<16xf32>,
    %gather3A = tpu.vector_load_idx %arg6[%get3A_46] masked %lt3A_45 : memref<10240xf32, #tpu.memory_space<vmem>>[vector<16xi32>], vector<16xf32>, vector<16xi1>
    %mul3A_51 = arith.mulf %get3A_50, %gather3A : vector<16xf32>
    tpu.vector_store_idx %arg7[%get3A_48], %mul3A_51 masked %lt3A_45 {add = true} : memref<10240xf32, #tpu.memory_space<vmem>>[vector<16xi32>], vector<16xf32>, vector<16xi1>
    "tpu.region"() ({
      %run_scoped3A = tpu.sem_alloc : memref<!tpu.dma_semaphore, #tpu.memory_space<semaphore_mem>>
      %dma_start3A_52 = arith.constant 0 : i32
      %dma_start3A_53 = tpu.memref_slice %arg5[%add3A, %dma_start3A_52] : memref<32x10240xf32, #tpu.memory_space<hbm>> -> memref<1x10240xf32, #tpu.memory_space<hbm>>
      %dma_start3A_54 = tpu.memref_squeeze %dma_start3A_53 : memref<1x10240xf32, #tpu.memory_space<hbm>> -> memref<10240xf32, #tpu.memory_space<hbm>>
      %dma_start3A_55 = arith.constant 0 : i32
      %dma_start3A_56 = tpu.memref_slice %arg5[%add3A, %dma_start3A_55] : memref<32x10240xf32, #tpu.memory_space<hbm>> -> memref<1x10240xf32, #tpu.memory_space<hbm>>
      %dma_start3A_57 = tpu.memref_squeeze %dma_start3A_56 : memref<1x10240xf32, #tpu.memory_space<hbm>> -> memref<10240xf32, #tpu.memory_space<hbm>>
      tpu.enqueue_dma source(%arg7 : memref<10240xf32, #tpu.memory_space<vmem>>) target(%dma_start3A_57 : memref<10240xf32, #tpu.memory_space<hbm>>) target_semaphore(%run_scoped3A : memref<!tpu.dma_semaphore, #tpu.memory_space<semaphore_mem>>)
      %dma_wait3A_58 = arith.constant 0 : i32
      %dma_wait3A_59 = tpu.memref_slice %arg5[%add3A, %dma_wait3A_58] : memref<32x10240xf32, #tpu.memory_space<hbm>> -> memref<1x10240xf32, #tpu.memory_space<hbm>>
      %dma_wait3A_60 = tpu.memref_squeeze %dma_wait3A_59 : memref<1x10240xf32, #tpu.memory_space<hbm>> -> memref<10240xf32, #tpu.memory_space<hbm>>
      %dma_wait3A_61 = arith.constant 0 : i32
      %dma_wait3A_62 = tpu.memref_slice %arg5[%add3A, %dma_wait3A_61] : memref<32x10240xf32, #tpu.memory_space<hbm>> -> memref<1x10240xf32, #tpu.memory_space<hbm>>
      %dma_wait3A_63 = tpu.memref_squeeze %dma_wait3A_62 : memref<1x10240xf32, #tpu.memory_space<hbm>> -> memref<10240xf32, #tpu.memory_space<hbm>>
      tpu.wait_dma2 semaphore(%run_scoped3A : memref<!tpu.dma_semaphore, #tpu.memory_space<semaphore_mem>>) src(%arg7 : memref<10240xf32, #tpu.memory_space<vmem>>) dst(%dma_wait3A_63 : memref<10240xf32, #tpu.memory_space<hbm>>)
      tpu.yield
    }) : () -> ()
    return
  }
}

#map = affine_map<(d0, d1) -> (0)>
#map1 = affine_map<(d0, d1) -> (0, 0)>
#map2 = affine_map<(d0, d1) -> (0, 0, 0)>
module attributes {stable_mosaic.version = 14 : i64} {
  func.func @_gat_edges_body(%arg0: i32, %arg1: i32, %arg2: memref<320000xi32, #tpu.memory_space<hbm>>, %arg3: memref<160000xf32, #tpu.memory_space<hbm>>, %arg4: memref<10240xf32, #tpu.memory_space<hbm>>, %arg5: memref<4x10240xf32, #tpu.memory_space<hbm>>, %arg6: memref<8x128xf32, #tpu.memory_space<hbm>>, %arg7: memref<32x10240xf32, #tpu.memory_space<hbm>>, %arg8: memref<4x32x10240xf32, #tpu.memory_space<hbm>>, %arg9: memref<32x10240xf32, #tpu.memory_space<hbm>>, %arg10: memref<10240xf32, #tpu.memory_space<vmem>>, %arg11: memref<10240xf32, #tpu.memory_space<vmem>>, %arg12: memref<10240xf32, #tpu.memory_space<vmem>>, %arg13: memref<10240xf32, #tpu.memory_space<vmem>>, %arg14: memref<10240xf32, #tpu.memory_space<vmem>>, %arg15: memref<10240xf32, #tpu.memory_space<vmem>>, %arg16: memref<10240xf32, #tpu.memory_space<vmem>>, %arg17: memref<10240xf32, #tpu.memory_space<vmem>>, %arg18: memref<10240xf32, #tpu.memory_space<vmem>>, %arg19: memref<10240xf32, #tpu.memory_space<vmem>>, %arg20: memref<10240xf32, #tpu.memory_space<vmem>>, %arg21: memref<5008xi32, #tpu.memory_space<vmem>>, %arg22: memref<5008xi32, #tpu.memory_space<vmem>>, %arg23: memref<5008xf32, #tpu.memory_space<vmem>>, %arg24: memref<8x128xf32, #tpu.memory_space<vmem>>, %arg25: memref<!tpu.dma_semaphore, #tpu.memory_space<semaphore_mem>>, %arg26: memref<!tpu.dma_semaphore, #tpu.memory_space<semaphore_mem>>) attributes {dimension_semantics = [#tpu.dimension_semantics<core_parallel>, #tpu.dimension_semantics<subcore_parallel>], iteration_bounds = array<i64: 2, 16>, scalar_prefetch = 0 : i64, scratch_operands = 17 : i64, tpu.core_type = #tpu.core_type<sc_vector_subcore>, window_params = [{transform_indices = #map}, {transform_indices = #map}, {transform_indices = #map}, {transform_indices = #map1}, {transform_indices = #map1}, {transform_indices = #map1}, {transform_indices = #map2}, {transform_indices = #map1}]} {
    %mul3A = arith.constant 16 : i32
    %mul3A_0 = arith.muli %arg0, %mul3A : i32
    %add3A = arith.addi %mul3A_0, %arg1 : i32
    %mul3A_1 = arith.constant 5000 : i32
    %mul3A_2 = arith.muli %add3A, %mul3A_1 : i32
    %dma_start3A = arith.constant 0 : i32
    %dma_start3A_3 = tpu.memref_slice %arg21[%dma_start3A] : memref<5008xi32, #tpu.memory_space<vmem>> -> memref<5000xi32, #tpu.memory_space<vmem>>
    %dma_start3A_4 = tpu.memref_slice %arg2[%mul3A_2] : memref<320000xi32, #tpu.memory_space<hbm>> -> memref<5000xi32, #tpu.memory_space<hbm>>
    %dma_start3A_5 = arith.constant 0 : i32
    %dma_start3A_6 = tpu.memref_slice %arg21[%dma_start3A_5] : memref<5008xi32, #tpu.memory_space<vmem>> -> memref<5000xi32, #tpu.memory_space<vmem>>
    %dma_start3A_7 = tpu.memref_slice %arg2[%mul3A_2] : memref<320000xi32, #tpu.memory_space<hbm>> -> memref<5000xi32, #tpu.memory_space<hbm>>
    tpu.enqueue_dma source(%dma_start3A_7 : memref<5000xi32, #tpu.memory_space<hbm>>) target(%dma_start3A_6 : memref<5000xi32, #tpu.memory_space<vmem>>) target_semaphore(%arg26 : memref<!tpu.dma_semaphore, #tpu.memory_space<semaphore_mem>>)
    %add3A_8 = arith.constant 160000 : i32
    %add3A_9 = arith.addi %add3A_8, %mul3A_2 : i32
    %dma_start3A_10 = arith.constant 0 : i32
    %dma_start3A_11 = tpu.memref_slice %arg22[%dma_start3A_10] : memref<5008xi32, #tpu.memory_space<vmem>> -> memref<5000xi32, #tpu.memory_space<vmem>>
    %dma_start3A_12 = tpu.memref_slice %arg2[%add3A_9] : memref<320000xi32, #tpu.memory_space<hbm>> -> memref<5000xi32, #tpu.memory_space<hbm>>
    %dma_start3A_13 = arith.constant 0 : i32
    %dma_start3A_14 = tpu.memref_slice %arg22[%dma_start3A_13] : memref<5008xi32, #tpu.memory_space<vmem>> -> memref<5000xi32, #tpu.memory_space<vmem>>
    %dma_start3A_15 = tpu.memref_slice %arg2[%add3A_9] : memref<320000xi32, #tpu.memory_space<hbm>> -> memref<5000xi32, #tpu.memory_space<hbm>>
    tpu.enqueue_dma source(%dma_start3A_15 : memref<5000xi32, #tpu.memory_space<hbm>>) target(%dma_start3A_14 : memref<5000xi32, #tpu.memory_space<vmem>>) target_semaphore(%arg26 : memref<!tpu.dma_semaphore, #tpu.memory_space<semaphore_mem>>)
    %dma_start3A_16 = arith.constant 0 : i32
    %dma_start3A_17 = tpu.memref_slice %arg23[%dma_start3A_16] : memref<5008xf32, #tpu.memory_space<vmem>> -> memref<5000xf32, #tpu.memory_space<vmem>>
    %dma_start3A_18 = tpu.memref_slice %arg3[%mul3A_2] : memref<160000xf32, #tpu.memory_space<hbm>> -> memref<5000xf32, #tpu.memory_space<hbm>>
    %dma_start3A_19 = arith.constant 0 : i32
    %dma_start3A_20 = tpu.memref_slice %arg23[%dma_start3A_19] : memref<5008xf32, #tpu.memory_space<vmem>> -> memref<5000xf32, #tpu.memory_space<vmem>>
    %dma_start3A_21 = tpu.memref_slice %arg3[%mul3A_2] : memref<160000xf32, #tpu.memory_space<hbm>> -> memref<5000xf32, #tpu.memory_space<hbm>>
    tpu.enqueue_dma source(%dma_start3A_21 : memref<5000xf32, #tpu.memory_space<hbm>>) target(%dma_start3A_20 : memref<5000xf32, #tpu.memory_space<vmem>>) target_semaphore(%arg26 : memref<!tpu.dma_semaphore, #tpu.memory_space<semaphore_mem>>)
    tpu.enqueue_dma source(%arg4 : memref<10240xf32, #tpu.memory_space<hbm>>) target(%arg10 : memref<10240xf32, #tpu.memory_space<vmem>>) target_semaphore(%arg25 : memref<!tpu.dma_semaphore, #tpu.memory_space<semaphore_mem>>)
    %dma_start3A_22 = arith.constant 0 : i32
    %dma_start3A_23 = arith.constant 0 : i32
    %dma_start3A_24 = tpu.memref_slice %arg5[%dma_start3A_22, %dma_start3A_23] : memref<4x10240xf32, #tpu.memory_space<hbm>> -> memref<1x10240xf32, #tpu.memory_space<hbm>>
    %dma_start3A_25 = tpu.memref_squeeze %dma_start3A_24 : memref<1x10240xf32, #tpu.memory_space<hbm>> -> memref<10240xf32, #tpu.memory_space<hbm>>
    %dma_start3A_26 = arith.constant 0 : i32
    %dma_start3A_27 = tpu.memref_slice %arg5[%dma_start3A_22, %dma_start3A_26] : memref<4x10240xf32, #tpu.memory_space<hbm>> -> memref<1x10240xf32, #tpu.memory_space<hbm>>
    %dma_start3A_28 = tpu.memref_squeeze %dma_start3A_27 : memref<1x10240xf32, #tpu.memory_space<hbm>> -> memref<10240xf32, #tpu.memory_space<hbm>>
    tpu.enqueue_dma source(%dma_start3A_28 : memref<10240xf32, #tpu.memory_space<hbm>>) target(%arg11 : memref<10240xf32, #tpu.memory_space<vmem>>) target_semaphore(%arg25 : memref<!tpu.dma_semaphore, #tpu.memory_space<semaphore_mem>>)
    %dma_start3A_29 = arith.constant 1 : i32
    %dma_start3A_30 = arith.constant 0 : i32
    %dma_start3A_31 = tpu.memref_slice %arg5[%dma_start3A_29, %dma_start3A_30] : memref<4x10240xf32, #tpu.memory_space<hbm>> -> memref<1x10240xf32, #tpu.memory_space<hbm>>
    %dma_start3A_32 = tpu.memref_squeeze %dma_start3A_31 : memref<1x10240xf32, #tpu.memory_space<hbm>> -> memref<10240xf32, #tpu.memory_space<hbm>>
    %dma_start3A_33 = arith.constant 0 : i32
    %dma_start3A_34 = tpu.memref_slice %arg5[%dma_start3A_29, %dma_start3A_33] : memref<4x10240xf32, #tpu.memory_space<hbm>> -> memref<1x10240xf32, #tpu.memory_space<hbm>>
    %dma_start3A_35 = tpu.memref_squeeze %dma_start3A_34 : memref<1x10240xf32, #tpu.memory_space<hbm>> -> memref<10240xf32, #tpu.memory_space<hbm>>
    tpu.enqueue_dma source(%dma_start3A_35 : memref<10240xf32, #tpu.memory_space<hbm>>) target(%arg12 : memref<10240xf32, #tpu.memory_space<vmem>>) target_semaphore(%arg25 : memref<!tpu.dma_semaphore, #tpu.memory_space<semaphore_mem>>)
    %dma_start3A_36 = arith.constant 2 : i32
    %dma_start3A_37 = arith.constant 0 : i32
    %dma_start3A_38 = tpu.memref_slice %arg5[%dma_start3A_36, %dma_start3A_37] : memref<4x10240xf32, #tpu.memory_space<hbm>> -> memref<1x10240xf32, #tpu.memory_space<hbm>>
    %dma_start3A_39 = tpu.memref_squeeze %dma_start3A_38 : memref<1x10240xf32, #tpu.memory_space<hbm>> -> memref<10240xf32, #tpu.memory_space<hbm>>
    %dma_start3A_40 = arith.constant 0 : i32
    %dma_start3A_41 = tpu.memref_slice %arg5[%dma_start3A_36, %dma_start3A_40] : memref<4x10240xf32, #tpu.memory_space<hbm>> -> memref<1x10240xf32, #tpu.memory_space<hbm>>
    %dma_start3A_42 = tpu.memref_squeeze %dma_start3A_41 : memref<1x10240xf32, #tpu.memory_space<hbm>> -> memref<10240xf32, #tpu.memory_space<hbm>>
    tpu.enqueue_dma source(%dma_start3A_42 : memref<10240xf32, #tpu.memory_space<hbm>>) target(%arg13 : memref<10240xf32, #tpu.memory_space<vmem>>) target_semaphore(%arg25 : memref<!tpu.dma_semaphore, #tpu.memory_space<semaphore_mem>>)
    %dma_start3A_43 = arith.constant 3 : i32
    %dma_start3A_44 = arith.constant 0 : i32
    %dma_start3A_45 = tpu.memref_slice %arg5[%dma_start3A_43, %dma_start3A_44] : memref<4x10240xf32, #tpu.memory_space<hbm>> -> memref<1x10240xf32, #tpu.memory_space<hbm>>
    %dma_start3A_46 = tpu.memref_squeeze %dma_start3A_45 : memref<1x10240xf32, #tpu.memory_space<hbm>> -> memref<10240xf32, #tpu.memory_space<hbm>>
    %dma_start3A_47 = arith.constant 0 : i32
    %dma_start3A_48 = tpu.memref_slice %arg5[%dma_start3A_43, %dma_start3A_47] : memref<4x10240xf32, #tpu.memory_space<hbm>> -> memref<1x10240xf32, #tpu.memory_space<hbm>>
    %dma_start3A_49 = tpu.memref_squeeze %dma_start3A_48 : memref<1x10240xf32, #tpu.memory_space<hbm>> -> memref<10240xf32, #tpu.memory_space<hbm>>
    tpu.enqueue_dma source(%dma_start3A_49 : memref<10240xf32, #tpu.memory_space<hbm>>) target(%arg14 : memref<10240xf32, #tpu.memory_space<vmem>>) target_semaphore(%arg25 : memref<!tpu.dma_semaphore, #tpu.memory_space<semaphore_mem>>)
    tpu.enqueue_dma source(%arg6 : memref<8x128xf32, #tpu.memory_space<hbm>>) target(%arg24 : memref<8x128xf32, #tpu.memory_space<vmem>>) target_semaphore(%arg25 : memref<!tpu.dma_semaphore, #tpu.memory_space<semaphore_mem>>)
    %parallel_loop3A = arith.constant 0 : i32
    %parallel_loop3A_50 = arith.constant 640 : i32
    %parallel_loop3A_51 = arith.constant 1 : i32
    scf.for %parallel_loop3A_157 = %parallel_loop3A to %parallel_loop3A_50 step %parallel_loop3A_51  : i32 {
      %parallel_loop3A_158 = arith.constant 0.000000e+00 : f32
      %parallel_loop3A_159 = vector.broadcast %parallel_loop3A_158 : f32 to vector<16xf32>
      %parallel_loop3A_160 = arith.constant 16 : i32
      %parallel_loop3A_161 = arith.muli %parallel_loop3A_157, %parallel_loop3A_160 : i32
      %parallel_loop3A_162 = arith.index_cast %parallel_loop3A_161 : i32 to index
      %parallel_loop3A_163 = tpu.vector_load %arg15[%parallel_loop3A_162] {strides = array<i32>} : memref<10240xf32, #tpu.memory_space<vmem>>, vector<16xf32>,
      tpu.vector_store %arg15[%parallel_loop3A_162], %parallel_loop3A_159 {strides = array<i32>} : memref<10240xf32, #tpu.memory_space<vmem>>, vector<16xf32>,
      %parallel_loop3A_164 = arith.constant 16 : i32
      %parallel_loop3A_165 = arith.muli %parallel_loop3A_157, %parallel_loop3A_164 : i32
      %parallel_loop3A_166 = arith.index_cast %parallel_loop3A_165 : i32 to index
      %parallel_loop3A_167 = tpu.vector_load %arg16[%parallel_loop3A_166] {strides = array<i32>} : memref<10240xf32, #tpu.memory_space<vmem>>, vector<16xf32>,
      tpu.vector_store %arg16[%parallel_loop3A_166], %parallel_loop3A_159 {strides = array<i32>} : memref<10240xf32, #tpu.memory_space<vmem>>, vector<16xf32>,
      %parallel_loop3A_168 = arith.constant 16 : i32
      %parallel_loop3A_169 = arith.muli %parallel_loop3A_157, %parallel_loop3A_168 : i32
      %parallel_loop3A_170 = arith.index_cast %parallel_loop3A_169 : i32 to index
      %parallel_loop3A_171 = tpu.vector_load %arg17[%parallel_loop3A_170] {strides = array<i32>} : memref<10240xf32, #tpu.memory_space<vmem>>, vector<16xf32>,
      tpu.vector_store %arg17[%parallel_loop3A_170], %parallel_loop3A_159 {strides = array<i32>} : memref<10240xf32, #tpu.memory_space<vmem>>, vector<16xf32>,
      %parallel_loop3A_172 = arith.constant 16 : i32
      %parallel_loop3A_173 = arith.muli %parallel_loop3A_157, %parallel_loop3A_172 : i32
      %parallel_loop3A_174 = arith.index_cast %parallel_loop3A_173 : i32 to index
      %parallel_loop3A_175 = tpu.vector_load %arg18[%parallel_loop3A_174] {strides = array<i32>} : memref<10240xf32, #tpu.memory_space<vmem>>, vector<16xf32>,
      tpu.vector_store %arg18[%parallel_loop3A_174], %parallel_loop3A_159 {strides = array<i32>} : memref<10240xf32, #tpu.memory_space<vmem>>, vector<16xf32>,
      %parallel_loop3A_176 = arith.constant 16 : i32
      %parallel_loop3A_177 = arith.muli %parallel_loop3A_157, %parallel_loop3A_176 : i32
      %parallel_loop3A_178 = arith.index_cast %parallel_loop3A_177 : i32 to index
      %parallel_loop3A_179 = tpu.vector_load %arg19[%parallel_loop3A_178] {strides = array<i32>} : memref<10240xf32, #tpu.memory_space<vmem>>, vector<16xf32>,
      tpu.vector_store %arg19[%parallel_loop3A_178], %parallel_loop3A_159 {strides = array<i32>} : memref<10240xf32, #tpu.memory_space<vmem>>, vector<16xf32>,
      %parallel_loop3A_180 = arith.constant 16 : i32
      %parallel_loop3A_181 = arith.muli %parallel_loop3A_157, %parallel_loop3A_180 : i32
      %parallel_loop3A_182 = arith.index_cast %parallel_loop3A_181 : i32 to index
      %parallel_loop3A_183 = tpu.vector_load %arg20[%parallel_loop3A_182] {strides = array<i32>} : memref<10240xf32, #tpu.memory_space<vmem>>, vector<16xf32>,
      tpu.vector_store %arg20[%parallel_loop3A_182], %parallel_loop3A_159 {strides = array<i32>} : memref<10240xf32, #tpu.memory_space<vmem>>, vector<16xf32>,
    } {sc.loop_unroll_factor = 8 : i64, sc.parallel_access}
    tpu.wait_dma2 semaphore(%arg25 : memref<!tpu.dma_semaphore, #tpu.memory_space<semaphore_mem>>) src(%arg4 : memref<10240xf32, #tpu.memory_space<hbm>>) dst(%arg10 : memref<10240xf32, #tpu.memory_space<vmem>>)
    %dma_wait3A = arith.constant 0 : i32
    %dma_wait3A_52 = arith.constant 0 : i32
    %dma_wait3A_53 = tpu.memref_slice %arg5[%dma_wait3A, %dma_wait3A_52] : memref<4x10240xf32, #tpu.memory_space<hbm>> -> memref<1x10240xf32, #tpu.memory_space<hbm>>
    %dma_wait3A_54 = tpu.memref_squeeze %dma_wait3A_53 : memref<1x10240xf32, #tpu.memory_space<hbm>> -> memref<10240xf32, #tpu.memory_space<hbm>>
    %dma_wait3A_55 = arith.constant 0 : i32
    %dma_wait3A_56 = tpu.memref_slice %arg5[%dma_wait3A, %dma_wait3A_55] : memref<4x10240xf32, #tpu.memory_space<hbm>> -> memref<1x10240xf32, #tpu.memory_space<hbm>>
    %dma_wait3A_57 = tpu.memref_squeeze %dma_wait3A_56 : memref<1x10240xf32, #tpu.memory_space<hbm>> -> memref<10240xf32, #tpu.memory_space<hbm>>
    tpu.wait_dma2 semaphore(%arg25 : memref<!tpu.dma_semaphore, #tpu.memory_space<semaphore_mem>>) src(%dma_wait3A_57 : memref<10240xf32, #tpu.memory_space<hbm>>) dst(%arg11 : memref<10240xf32, #tpu.memory_space<vmem>>)
    %dma_wait3A_58 = arith.constant 1 : i32
    %dma_wait3A_59 = arith.constant 0 : i32
    %dma_wait3A_60 = tpu.memref_slice %arg5[%dma_wait3A_58, %dma_wait3A_59] : memref<4x10240xf32, #tpu.memory_space<hbm>> -> memref<1x10240xf32, #tpu.memory_space<hbm>>
    %dma_wait3A_61 = tpu.memref_squeeze %dma_wait3A_60 : memref<1x10240xf32, #tpu.memory_space<hbm>> -> memref<10240xf32, #tpu.memory_space<hbm>>
    %dma_wait3A_62 = arith.constant 0 : i32
    %dma_wait3A_63 = tpu.memref_slice %arg5[%dma_wait3A_58, %dma_wait3A_62] : memref<4x10240xf32, #tpu.memory_space<hbm>> -> memref<1x10240xf32, #tpu.memory_space<hbm>>
    %dma_wait3A_64 = tpu.memref_squeeze %dma_wait3A_63 : memref<1x10240xf32, #tpu.memory_space<hbm>> -> memref<10240xf32, #tpu.memory_space<hbm>>
    tpu.wait_dma2 semaphore(%arg25 : memref<!tpu.dma_semaphore, #tpu.memory_space<semaphore_mem>>) src(%dma_wait3A_64 : memref<10240xf32, #tpu.memory_space<hbm>>) dst(%arg12 : memref<10240xf32, #tpu.memory_space<vmem>>)
    %dma_wait3A_65 = arith.constant 2 : i32
    %dma_wait3A_66 = arith.constant 0 : i32
    %dma_wait3A_67 = tpu.memref_slice %arg5[%dma_wait3A_65, %dma_wait3A_66] : memref<4x10240xf32, #tpu.memory_space<hbm>> -> memref<1x10240xf32, #tpu.memory_space<hbm>>
    %dma_wait3A_68 = tpu.memref_squeeze %dma_wait3A_67 : memref<1x10240xf32, #tpu.memory_space<hbm>> -> memref<10240xf32, #tpu.memory_space<hbm>>
    %dma_wait3A_69 = arith.constant 0 : i32
    %dma_wait3A_70 = tpu.memref_slice %arg5[%dma_wait3A_65, %dma_wait3A_69] : memref<4x10240xf32, #tpu.memory_space<hbm>> -> memref<1x10240xf32, #tpu.memory_space<hbm>>
    %dma_wait3A_71 = tpu.memref_squeeze %dma_wait3A_70 : memref<1x10240xf32, #tpu.memory_space<hbm>> -> memref<10240xf32, #tpu.memory_space<hbm>>
    tpu.wait_dma2 semaphore(%arg25 : memref<!tpu.dma_semaphore, #tpu.memory_space<semaphore_mem>>) src(%dma_wait3A_71 : memref<10240xf32, #tpu.memory_space<hbm>>) dst(%arg13 : memref<10240xf32, #tpu.memory_space<vmem>>)
    %dma_wait3A_72 = arith.constant 3 : i32
    %dma_wait3A_73 = arith.constant 0 : i32
    %dma_wait3A_74 = tpu.memref_slice %arg5[%dma_wait3A_72, %dma_wait3A_73] : memref<4x10240xf32, #tpu.memory_space<hbm>> -> memref<1x10240xf32, #tpu.memory_space<hbm>>
    %dma_wait3A_75 = tpu.memref_squeeze %dma_wait3A_74 : memref<1x10240xf32, #tpu.memory_space<hbm>> -> memref<10240xf32, #tpu.memory_space<hbm>>
    %dma_wait3A_76 = arith.constant 0 : i32
    %dma_wait3A_77 = tpu.memref_slice %arg5[%dma_wait3A_72, %dma_wait3A_76] : memref<4x10240xf32, #tpu.memory_space<hbm>> -> memref<1x10240xf32, #tpu.memory_space<hbm>>
    %dma_wait3A_78 = tpu.memref_squeeze %dma_wait3A_77 : memref<1x10240xf32, #tpu.memory_space<hbm>> -> memref<10240xf32, #tpu.memory_space<hbm>>
    tpu.wait_dma2 semaphore(%arg25 : memref<!tpu.dma_semaphore, #tpu.memory_space<semaphore_mem>>) src(%dma_wait3A_78 : memref<10240xf32, #tpu.memory_space<hbm>>) dst(%arg14 : memref<10240xf32, #tpu.memory_space<vmem>>)
    tpu.wait_dma2 semaphore(%arg25 : memref<!tpu.dma_semaphore, #tpu.memory_space<semaphore_mem>>) src(%arg6 : memref<8x128xf32, #tpu.memory_space<hbm>>) dst(%arg24 : memref<8x128xf32, #tpu.memory_space<vmem>>)
    %dma_wait3A_79 = arith.constant 0 : i32
    %dma_wait3A_80 = tpu.memref_slice %arg21[%dma_wait3A_79] : memref<5008xi32, #tpu.memory_space<vmem>> -> memref<5000xi32, #tpu.memory_space<vmem>>
    %dma_wait3A_81 = tpu.memref_slice %arg2[%mul3A_2] : memref<320000xi32, #tpu.memory_space<hbm>> -> memref<5000xi32, #tpu.memory_space<hbm>>
    %dma_wait3A_82 = arith.constant 0 : i32
    %dma_wait3A_83 = tpu.memref_slice %arg21[%dma_wait3A_82] : memref<5008xi32, #tpu.memory_space<vmem>> -> memref<5000xi32, #tpu.memory_space<vmem>>
    %dma_wait3A_84 = tpu.memref_slice %arg2[%mul3A_2] : memref<320000xi32, #tpu.memory_space<hbm>> -> memref<5000xi32, #tpu.memory_space<hbm>>
    tpu.wait_dma2 semaphore(%arg26 : memref<!tpu.dma_semaphore, #tpu.memory_space<semaphore_mem>>) src(%dma_wait3A_84 : memref<5000xi32, #tpu.memory_space<hbm>>) dst(%dma_wait3A_83 : memref<5000xi32, #tpu.memory_space<vmem>>)
    %dma_wait3A_85 = arith.constant 0 : i32
    %dma_wait3A_86 = tpu.memref_slice %arg22[%dma_wait3A_85] : memref<5008xi32, #tpu.memory_space<vmem>> -> memref<5000xi32, #tpu.memory_space<vmem>>
    %dma_wait3A_87 = tpu.memref_slice %arg2[%add3A_9] : memref<320000xi32, #tpu.memory_space<hbm>> -> memref<5000xi32, #tpu.memory_space<hbm>>
    %dma_wait3A_88 = arith.constant 0 : i32
    %dma_wait3A_89 = tpu.memref_slice %arg22[%dma_wait3A_88] : memref<5008xi32, #tpu.memory_space<vmem>> -> memref<5000xi32, #tpu.memory_space<vmem>>
    %dma_wait3A_90 = tpu.memref_slice %arg2[%add3A_9] : memref<320000xi32, #tpu.memory_space<hbm>> -> memref<5000xi32, #tpu.memory_space<hbm>>
    tpu.wait_dma2 semaphore(%arg26 : memref<!tpu.dma_semaphore, #tpu.memory_space<semaphore_mem>>) src(%dma_wait3A_90 : memref<5000xi32, #tpu.memory_space<hbm>>) dst(%dma_wait3A_89 : memref<5000xi32, #tpu.memory_space<vmem>>)
    %dma_wait3A_91 = arith.constant 0 : i32
    %dma_wait3A_92 = tpu.memref_slice %arg23[%dma_wait3A_91] : memref<5008xf32, #tpu.memory_space<vmem>> -> memref<5000xf32, #tpu.memory_space<vmem>>
    %dma_wait3A_93 = tpu.memref_slice %arg3[%mul3A_2] : memref<160000xf32, #tpu.memory_space<hbm>> -> memref<5000xf32, #tpu.memory_space<hbm>>
    %dma_wait3A_94 = arith.constant 0 : i32
    %dma_wait3A_95 = tpu.memref_slice %arg23[%dma_wait3A_94] : memref<5008xf32, #tpu.memory_space<vmem>> -> memref<5000xf32, #tpu.memory_space<vmem>>
    %dma_wait3A_96 = tpu.memref_slice %arg3[%mul3A_2] : memref<160000xf32, #tpu.memory_space<hbm>> -> memref<5000xf32, #tpu.memory_space<hbm>>
    tpu.wait_dma2 semaphore(%arg26 : memref<!tpu.dma_semaphore, #tpu.memory_space<semaphore_mem>>) src(%dma_wait3A_96 : memref<5000xf32, #tpu.memory_space<hbm>>) dst(%dma_wait3A_95 : memref<5000xf32, #tpu.memory_space<vmem>>)
    %get3A = arith.constant 0 : i32
    %get3A_97 = arith.index_cast %get3A : i32 to index
    %get3A_98 = arith.constant 0 : index
    %get3A_99 = tpu.vector_load %arg24[%get3A_97, %get3A_98] {strides = array<i32>} : memref<8x128xf32, #tpu.memory_space<vmem>>, vector<16xf32>,
    %get3A_100 = arith.constant 1 : i32
    %get3A_101 = arith.index_cast %get3A_100 : i32 to index
    %get3A_102 = arith.constant 0 : index
    %get3A_103 = tpu.vector_load %arg24[%get3A_101, %get3A_102] {strides = array<i32>} : memref<8x128xf32, #tpu.memory_space<vmem>>, vector<16xf32>,
    %get3A_104 = arith.constant 2 : i32
    %get3A_105 = arith.index_cast %get3A_104 : i32 to index
    %get3A_106 = arith.constant 0 : index
    %get3A_107 = tpu.vector_load %arg24[%get3A_105, %get3A_106] {strides = array<i32>} : memref<8x128xf32, #tpu.memory_space<vmem>>, vector<16xf32>,
    %get3A_108 = arith.constant 3 : i32
    %get3A_109 = arith.index_cast %get3A_108 : i32 to index
    %get3A_110 = arith.constant 0 : index
    %get3A_111 = tpu.vector_load %arg24[%get3A_109, %get3A_110] {strides = array<i32>} : memref<8x128xf32, #tpu.memory_space<vmem>>, vector<16xf32>,
    %get3A_112 = arith.constant 4 : i32
    %get3A_113 = arith.index_cast %get3A_112 : i32 to index
    %get3A_114 = arith.constant 0 : index
    %get3A_115 = tpu.vector_load %arg24[%get3A_113, %get3A_114] {strides = array<i32>} : memref<8x128xf32, #tpu.memory_space<vmem>>, vector<16xf32>,
    %get3A_116 = arith.constant 5 : i32
    %get3A_117 = arith.index_cast %get3A_116 : i32 to index
    %get3A_118 = arith.constant 0 : index
    %get3A_119 = tpu.vector_load %arg24[%get3A_117, %get3A_118] {strides = array<i32>} : memref<8x128xf32, #tpu.memory_space<vmem>>, vector<16xf32>,
    %parallel_loop3A_120 = arith.constant 0 : i32
    %parallel_loop3A_121 = arith.constant 312 : i32
    %parallel_loop3A_122 = arith.constant 1 : i32
    scf.for %parallel_loop3A_157 = %parallel_loop3A_120 to %parallel_loop3A_121 step %parallel_loop3A_122  : i32 {
      %parallel_loop3A_158 = arith.constant 16 : i32
      %parallel_loop3A_159 = arith.muli %parallel_loop3A_157, %parallel_loop3A_158 : i32
      %parallel_loop3A_160 = arith.index_cast %parallel_loop3A_159 : i32 to index
      %parallel_loop3A_161 = tpu.vector_load %arg21[%parallel_loop3A_160] {strides = array<i32>} : memref<5008xi32, #tpu.memory_space<vmem>>, vector<16xi32>,
      %parallel_loop3A_162 = arith.constant 16 : i32
      %parallel_loop3A_163 = arith.muli %parallel_loop3A_157, %parallel_loop3A_162 : i32
      %parallel_loop3A_164 = arith.index_cast %parallel_loop3A_163 : i32 to index
      %parallel_loop3A_165 = tpu.vector_load %arg22[%parallel_loop3A_164] {strides = array<i32>} : memref<5008xi32, #tpu.memory_space<vmem>>, vector<16xi32>,
      %parallel_loop3A_166 = arith.constant 16 : i32
      %parallel_loop3A_167 = arith.muli %parallel_loop3A_157, %parallel_loop3A_166 : i32
      %parallel_loop3A_168 = arith.index_cast %parallel_loop3A_167 : i32 to index
      %parallel_loop3A_169 = tpu.vector_load %arg23[%parallel_loop3A_168] {strides = array<i32>} : memref<5008xf32, #tpu.memory_space<vmem>>, vector<16xf32>,
      %parallel_loop3A_170 = tpu.vector_load_idx %arg11[%parallel_loop3A_161] : memref<10240xf32, #tpu.memory_space<vmem>>[vector<16xi32>], vector<16xf32>,
      %parallel_loop3A_171 = tpu.vector_load_idx %arg12[%parallel_loop3A_161] : memref<10240xf32, #tpu.memory_space<vmem>>[vector<16xi32>], vector<16xf32>,
      %parallel_loop3A_172 = tpu.vector_load_idx %arg13[%parallel_loop3A_161] : memref<10240xf32, #tpu.memory_space<vmem>>[vector<16xi32>], vector<16xf32>,
      %parallel_loop3A_173 = tpu.vector_load_idx %arg14[%parallel_loop3A_161] : memref<10240xf32, #tpu.memory_space<vmem>>[vector<16xi32>], vector<16xf32>,
      %parallel_loop3A_174 = tpu.vector_load_idx %arg10[%parallel_loop3A_165] : memref<10240xf32, #tpu.memory_space<vmem>>[vector<16xi32>], vector<16xf32>,
      %parallel_loop3A_175 = arith.mulf %parallel_loop3A_170, %get3A_107 : vector<16xf32>
      %parallel_loop3A_176 = arith.mulf %parallel_loop3A_171, %get3A_111 : vector<16xf32>
      %parallel_loop3A_177 = arith.addf %parallel_loop3A_175, %parallel_loop3A_176 : vector<16xf32>
      %parallel_loop3A_178 = arith.mulf %parallel_loop3A_172, %get3A_115 : vector<16xf32>
      %parallel_loop3A_179 = arith.addf %parallel_loop3A_177, %parallel_loop3A_178 : vector<16xf32>
      %parallel_loop3A_180 = arith.mulf %parallel_loop3A_173, %get3A_119 : vector<16xf32>
      %parallel_loop3A_181 = arith.addf %parallel_loop3A_179, %parallel_loop3A_180 : vector<16xf32>
      %parallel_loop3A_182 = arith.addf %parallel_loop3A_181, %parallel_loop3A_174 : vector<16xf32>
      %parallel_loop3A_183 = arith.mulf %get3A_99, %parallel_loop3A_169 : vector<16xf32>
      %parallel_loop3A_184 = arith.addf %parallel_loop3A_182, %parallel_loop3A_183 : vector<16xf32>
      %parallel_loop3A_185 = arith.constant 0.000000e+00 : f32
      %parallel_loop3A_186 = vector.broadcast %parallel_loop3A_185 : f32 to vector<16xf32>
      %parallel_loop3A_187 = arith.cmpf ogt, %parallel_loop3A_184, %parallel_loop3A_186 : vector<16xf32>
      %parallel_loop3A_188 = arith.constant 2.000000e-01 : f32
      %parallel_loop3A_189 = vector.broadcast %parallel_loop3A_188 : f32 to vector<16xf32>
      %parallel_loop3A_190 = arith.mulf %parallel_loop3A_189, %parallel_loop3A_184 : vector<16xf32>
      %parallel_loop3A_191 = arith.select %parallel_loop3A_187, %parallel_loop3A_184, %parallel_loop3A_190 : vector<16xi1>, vector<16xf32>
      %parallel_loop3A_192 = arith.subf %parallel_loop3A_191, %get3A_103 : vector<16xf32>
      %parallel_loop3A_193 = math.exp %parallel_loop3A_192 : vector<16xf32>
      tpu.vector_store_idx %arg15[%parallel_loop3A_165], %parallel_loop3A_193 {add = true} : memref<10240xf32, #tpu.memory_space<vmem>>[vector<16xi32>], vector<16xf32>,
      %parallel_loop3A_194 = arith.mulf %parallel_loop3A_193, %parallel_loop3A_170 : vector<16xf32>
      tpu.vector_store_idx %arg16[%parallel_loop3A_165], %parallel_loop3A_194 {add = true} : memref<10240xf32, #tpu.memory_space<vmem>>[vector<16xi32>], vector<16xf32>,
      %parallel_loop3A_195 = arith.mulf %parallel_loop3A_193, %parallel_loop3A_171 : vector<16xf32>
      tpu.vector_store_idx %arg17[%parallel_loop3A_165], %parallel_loop3A_195 {add = true} : memref<10240xf32, #tpu.memory_space<vmem>>[vector<16xi32>], vector<16xf32>,
      %parallel_loop3A_196 = arith.mulf %parallel_loop3A_193, %parallel_loop3A_172 : vector<16xf32>
      tpu.vector_store_idx %arg18[%parallel_loop3A_165], %parallel_loop3A_196 {add = true} : memref<10240xf32, #tpu.memory_space<vmem>>[vector<16xi32>], vector<16xf32>,
      %parallel_loop3A_197 = arith.mulf %parallel_loop3A_193, %parallel_loop3A_173 : vector<16xf32>
      tpu.vector_store_idx %arg19[%parallel_loop3A_165], %parallel_loop3A_197 {add = true} : memref<10240xf32, #tpu.memory_space<vmem>>[vector<16xi32>], vector<16xf32>,
      tpu.vector_store_idx %arg20[%parallel_loop3A_165], %parallel_loop3A_169 {add = true} : memref<10240xf32, #tpu.memory_space<vmem>>[vector<16xi32>], vector<16xf32>,
    } {sc.loop_unroll_factor = 4 : i64, sc.parallel_access}
    %iota3A = tpu.iota {dimensions = array<i32: 0>} : vector<16xi32>
    %lt3A = arith.constant 8 : i32
    %lt3A_123 = vector.broadcast %lt3A : i32 to vector<16xi32>
    %lt3A_124 = arith.cmpi slt, %iota3A, %lt3A_123 : vector<16xi32>
    %get3A_125 = arith.constant 4992 : index
    %get3A_126 = tpu.vector_load %arg21[%get3A_125] {strides = array<i32>} : memref<5008xi32, #tpu.memory_space<vmem>>, vector<16xi32>,
    %get3A_127 = arith.constant 4992 : index
    %get3A_128 = tpu.vector_load %arg22[%get3A_127] {strides = array<i32>} : memref<5008xi32, #tpu.memory_space<vmem>>, vector<16xi32>,
    %get3A_129 = arith.constant 4992 : index
    %get3A_130 = tpu.vector_load %arg23[%get3A_129] {strides = array<i32>} : memref<5008xf32, #tpu.memory_space<vmem>>, vector<16xf32>,
    %gather3A = tpu.vector_load_idx %arg11[%get3A_126] masked %lt3A_124 : memref<10240xf32, #tpu.memory_space<vmem>>[vector<16xi32>], vector<16xf32>, vector<16xi1>
    %gather3A_131 = tpu.vector_load_idx %arg12[%get3A_126] masked %lt3A_124 : memref<10240xf32, #tpu.memory_space<vmem>>[vector<16xi32>], vector<16xf32>, vector<16xi1>
    %gather3A_132 = tpu.vector_load_idx %arg13[%get3A_126] masked %lt3A_124 : memref<10240xf32, #tpu.memory_space<vmem>>[vector<16xi32>], vector<16xf32>, vector<16xi1>
    %gather3A_133 = tpu.vector_load_idx %arg14[%get3A_126] masked %lt3A_124 : memref<10240xf32, #tpu.memory_space<vmem>>[vector<16xi32>], vector<16xf32>, vector<16xi1>
    %gather3A_134 = tpu.vector_load_idx %arg10[%get3A_128] masked %lt3A_124 : memref<10240xf32, #tpu.memory_space<vmem>>[vector<16xi32>], vector<16xf32>, vector<16xi1>
    %mul3A_135 = arith.mulf %gather3A, %get3A_107 : vector<16xf32>
    %mul3A_136 = arith.mulf %gather3A_131, %get3A_111 : vector<16xf32>
    %add3A_137 = arith.addf %mul3A_135, %mul3A_136 : vector<16xf32>
    %mul3A_138 = arith.mulf %gather3A_132, %get3A_115 : vector<16xf32>
    %add3A_139 = arith.addf %add3A_137, %mul3A_138 : vector<16xf32>
    %mul3A_140 = arith.mulf %gather3A_133, %get3A_119 : vector<16xf32>
    %add3A_141 = arith.addf %add3A_139, %mul3A_140 : vector<16xf32>
    %add3A_142 = arith.addf %add3A_141, %gather3A_134 : vector<16xf32>
    %mul3A_143 = arith.mulf %get3A_99, %get3A_130 : vector<16xf32>
    %add3A_144 = arith.addf %add3A_142, %mul3A_143 : vector<16xf32>
    %gt3A = arith.constant 0.000000e+00 : f32
    %gt3A_145 = vector.broadcast %gt3A : f32 to vector<16xf32>
    %gt3A_146 = arith.cmpf ogt, %add3A_144, %gt3A_145 : vector<16xf32>
    %mul3A_147 = arith.constant 2.000000e-01 : f32
    %mul3A_148 = vector.broadcast %mul3A_147 : f32 to vector<16xf32>
    %mul3A_149 = arith.mulf %mul3A_148, %add3A_144 : vector<16xf32>
    %select_n3A = arith.select %gt3A_146, %add3A_144, %mul3A_149 : vector<16xi1>, vector<16xf32>
    %sub3A = arith.subf %select_n3A, %get3A_103 : vector<16xf32>
    %exp3A = math.exp %sub3A : vector<16xf32>
    tpu.vector_store_idx %arg15[%get3A_128], %exp3A masked %lt3A_124 {add = true} : memref<10240xf32, #tpu.memory_space<vmem>>[vector<16xi32>], vector<16xf32>, vector<16xi1>
    %mul3A_150 = arith.mulf %exp3A, %gather3A : vector<16xf32>
    tpu.vector_store_idx %arg16[%get3A_128], %mul3A_150 masked %lt3A_124 {add = true} : memref<10240xf32, #tpu.memory_space<vmem>>[vector<16xi32>], vector<16xf32>, vector<16xi1>
    %mul3A_151 = arith.mulf %exp3A, %gather3A_131 : vector<16xf32>
    tpu.vector_store_idx %arg17[%get3A_128], %mul3A_151 masked %lt3A_124 {add = true} : memref<10240xf32, #tpu.memory_space<vmem>>[vector<16xi32>], vector<16xf32>, vector<16xi1>
    %mul3A_152 = arith.mulf %exp3A, %gather3A_132 : vector<16xf32>
    tpu.vector_store_idx %arg18[%get3A_128], %mul3A_152 masked %lt3A_124 {add = true} : memref<10240xf32, #tpu.memory_space<vmem>>[vector<16xi32>], vector<16xf32>, vector<16xi1>
    %mul3A_153 = arith.mulf %exp3A, %gather3A_133 : vector<16xf32>
    tpu.vector_store_idx %arg19[%get3A_128], %mul3A_153 masked %lt3A_124 {add = true} : memref<10240xf32, #tpu.memory_space<vmem>>[vector<16xi32>], vector<16xf32>, vector<16xi1>
    tpu.vector_store_idx %arg20[%get3A_128], %get3A_130 masked %lt3A_124 {add = true} : memref<10240xf32, #tpu.memory_space<vmem>>[vector<16xi32>], vector<16xf32>, vector<16xi1>
    "tpu.region"() ({
      %run_scoped3A_157 = tpu.sem_alloc : memref<!tpu.dma_semaphore, #tpu.memory_space<semaphore_mem>>
      %dma_start3A_158 = arith.constant 0 : i32
      %dma_start3A_159 = tpu.memref_slice %arg7[%add3A, %dma_start3A_158] : memref<32x10240xf32, #tpu.memory_space<hbm>> -> memref<1x10240xf32, #tpu.memory_space<hbm>>
      %dma_start3A_160 = tpu.memref_squeeze %dma_start3A_159 : memref<1x10240xf32, #tpu.memory_space<hbm>> -> memref<10240xf32, #tpu.memory_space<hbm>>
      %dma_start3A_161 = arith.constant 0 : i32
      %dma_start3A_162 = tpu.memref_slice %arg7[%add3A, %dma_start3A_161] : memref<32x10240xf32, #tpu.memory_space<hbm>> -> memref<1x10240xf32, #tpu.memory_space<hbm>>
      %dma_start3A_163 = tpu.memref_squeeze %dma_start3A_162 : memref<1x10240xf32, #tpu.memory_space<hbm>> -> memref<10240xf32, #tpu.memory_space<hbm>>
      tpu.enqueue_dma source(%arg15 : memref<10240xf32, #tpu.memory_space<vmem>>) target(%dma_start3A_163 : memref<10240xf32, #tpu.memory_space<hbm>>) target_semaphore(%run_scoped3A_157 : memref<!tpu.dma_semaphore, #tpu.memory_space<semaphore_mem>>)
      %dma_wait3A_164 = arith.constant 0 : i32
      %dma_wait3A_165 = tpu.memref_slice %arg7[%add3A, %dma_wait3A_164] : memref<32x10240xf32, #tpu.memory_space<hbm>> -> memref<1x10240xf32, #tpu.memory_space<hbm>>
      %dma_wait3A_166 = tpu.memref_squeeze %dma_wait3A_165 : memref<1x10240xf32, #tpu.memory_space<hbm>> -> memref<10240xf32, #tpu.memory_space<hbm>>
      %dma_wait3A_167 = arith.constant 0 : i32
      %dma_wait3A_168 = tpu.memref_slice %arg7[%add3A, %dma_wait3A_167] : memref<32x10240xf32, #tpu.memory_space<hbm>> -> memref<1x10240xf32, #tpu.memory_space<hbm>>
      %dma_wait3A_169 = tpu.memref_squeeze %dma_wait3A_168 : memref<1x10240xf32, #tpu.memory_space<hbm>> -> memref<10240xf32, #tpu.memory_space<hbm>>
      tpu.wait_dma2 semaphore(%run_scoped3A_157 : memref<!tpu.dma_semaphore, #tpu.memory_space<semaphore_mem>>) src(%arg15 : memref<10240xf32, #tpu.memory_space<vmem>>) dst(%dma_wait3A_169 : memref<10240xf32, #tpu.memory_space<hbm>>)
      tpu.yield
    }) : () -> ()
    %run_scoped3A = arith.constant 0 : i32
    "tpu.region"() ({
      %run_scoped3A_157 = tpu.sem_alloc : memref<!tpu.dma_semaphore, #tpu.memory_space<semaphore_mem>>
      %dma_start3A_158 = arith.constant 0 : i32
      %dma_start3A_159 = tpu.memref_slice %arg8[%run_scoped3A, %add3A, %dma_start3A_158] : memref<4x32x10240xf32, #tpu.memory_space<hbm>> -> memref<1x1x10240xf32, #tpu.memory_space<hbm>>
      %dma_start3A_160 = tpu.memref_squeeze %dma_start3A_159 : memref<1x1x10240xf32, #tpu.memory_space<hbm>> -> memref<10240xf32, #tpu.memory_space<hbm>>
      %dma_start3A_161 = arith.constant 0 : i32
      %dma_start3A_162 = tpu.memref_slice %arg8[%run_scoped3A, %add3A, %dma_start3A_161] : memref<4x32x10240xf32, #tpu.memory_space<hbm>> -> memref<1x1x10240xf32, #tpu.memory_space<hbm>>
      %dma_start3A_163 = tpu.memref_squeeze %dma_start3A_162 : memref<1x1x10240xf32, #tpu.memory_space<hbm>> -> memref<10240xf32, #tpu.memory_space<hbm>>
      tpu.enqueue_dma source(%arg16 : memref<10240xf32, #tpu.memory_space<vmem>>) target(%dma_start3A_163 : memref<10240xf32, #tpu.memory_space<hbm>>) target_semaphore(%run_scoped3A_157 : memref<!tpu.dma_semaphore, #tpu.memory_space<semaphore_mem>>)
      %dma_wait3A_164 = arith.constant 0 : i32
      %dma_wait3A_165 = tpu.memref_slice %arg8[%run_scoped3A, %add3A, %dma_wait3A_164] : memref<4x32x10240xf32, #tpu.memory_space<hbm>> -> memref<1x1x10240xf32, #tpu.memory_space<hbm>>
      %dma_wait3A_166 = tpu.memref_squeeze %dma_wait3A_165 : memref<1x1x10240xf32, #tpu.memory_space<hbm>> -> memref<10240xf32, #tpu.memory_space<hbm>>
      %dma_wait3A_167 = arith.constant 0 : i32
      %dma_wait3A_168 = tpu.memref_slice %arg8[%run_scoped3A, %add3A, %dma_wait3A_167] : memref<4x32x10240xf32, #tpu.memory_space<hbm>> -> memref<1x1x10240xf32, #tpu.memory_space<hbm>>
      %dma_wait3A_169 = tpu.memref_squeeze %dma_wait3A_168 : memref<1x1x10240xf32, #tpu.memory_space<hbm>> -> memref<10240xf32, #tpu.memory_space<hbm>>
      tpu.wait_dma2 semaphore(%run_scoped3A_157 : memref<!tpu.dma_semaphore, #tpu.memory_space<semaphore_mem>>) src(%arg16 : memref<10240xf32, #tpu.memory_space<vmem>>) dst(%dma_wait3A_169 : memref<10240xf32, #tpu.memory_space<hbm>>)
      tpu.yield
    }) : () -> ()
    %run_scoped3A_154 = arith.constant 1 : i32
    "tpu.region"() ({
      %run_scoped3A_157 = tpu.sem_alloc : memref<!tpu.dma_semaphore, #tpu.memory_space<semaphore_mem>>
      %dma_start3A_158 = arith.constant 0 : i32
      %dma_start3A_159 = tpu.memref_slice %arg8[%run_scoped3A_154, %add3A, %dma_start3A_158] : memref<4x32x10240xf32, #tpu.memory_space<hbm>> -> memref<1x1x10240xf32, #tpu.memory_space<hbm>>
      %dma_start3A_160 = tpu.memref_squeeze %dma_start3A_159 : memref<1x1x10240xf32, #tpu.memory_space<hbm>> -> memref<10240xf32, #tpu.memory_space<hbm>>
      %dma_start3A_161 = arith.constant 0 : i32
      %dma_start3A_162 = tpu.memref_slice %arg8[%run_scoped3A_154, %add3A, %dma_start3A_161] : memref<4x32x10240xf32, #tpu.memory_space<hbm>> -> memref<1x1x10240xf32, #tpu.memory_space<hbm>>
      %dma_start3A_163 = tpu.memref_squeeze %dma_start3A_162 : memref<1x1x10240xf32, #tpu.memory_space<hbm>> -> memref<10240xf32, #tpu.memory_space<hbm>>
      tpu.enqueue_dma source(%arg17 : memref<10240xf32, #tpu.memory_space<vmem>>) target(%dma_start3A_163 : memref<10240xf32, #tpu.memory_space<hbm>>) target_semaphore(%run_scoped3A_157 : memref<!tpu.dma_semaphore, #tpu.memory_space<semaphore_mem>>)
      %dma_wait3A_164 = arith.constant 0 : i32
      %dma_wait3A_165 = tpu.memref_slice %arg8[%run_scoped3A_154, %add3A, %dma_wait3A_164] : memref<4x32x10240xf32, #tpu.memory_space<hbm>> -> memref<1x1x10240xf32, #tpu.memory_space<hbm>>
      %dma_wait3A_166 = tpu.memref_squeeze %dma_wait3A_165 : memref<1x1x10240xf32, #tpu.memory_space<hbm>> -> memref<10240xf32, #tpu.memory_space<hbm>>
      %dma_wait3A_167 = arith.constant 0 : i32
      %dma_wait3A_168 = tpu.memref_slice %arg8[%run_scoped3A_154, %add3A, %dma_wait3A_167] : memref<4x32x10240xf32, #tpu.memory_space<hbm>> -> memref<1x1x10240xf32, #tpu.memory_space<hbm>>
      %dma_wait3A_169 = tpu.memref_squeeze %dma_wait3A_168 : memref<1x1x10240xf32, #tpu.memory_space<hbm>> -> memref<10240xf32, #tpu.memory_space<hbm>>
      tpu.wait_dma2 semaphore(%run_scoped3A_157 : memref<!tpu.dma_semaphore, #tpu.memory_space<semaphore_mem>>) src(%arg17 : memref<10240xf32, #tpu.memory_space<vmem>>) dst(%dma_wait3A_169 : memref<10240xf32, #tpu.memory_space<hbm>>)
      tpu.yield
    }) : () -> ()
    %run_scoped3A_155 = arith.constant 2 : i32
    "tpu.region"() ({
      %run_scoped3A_157 = tpu.sem_alloc : memref<!tpu.dma_semaphore, #tpu.memory_space<semaphore_mem>>
      %dma_start3A_158 = arith.constant 0 : i32
      %dma_start3A_159 = tpu.memref_slice %arg8[%run_scoped3A_155, %add3A, %dma_start3A_158] : memref<4x32x10240xf32, #tpu.memory_space<hbm>> -> memref<1x1x10240xf32, #tpu.memory_space<hbm>>
      %dma_start3A_160 = tpu.memref_squeeze %dma_start3A_159 : memref<1x1x10240xf32, #tpu.memory_space<hbm>> -> memref<10240xf32, #tpu.memory_space<hbm>>
      %dma_start3A_161 = arith.constant 0 : i32
      %dma_start3A_162 = tpu.memref_slice %arg8[%run_scoped3A_155, %add3A, %dma_start3A_161] : memref<4x32x10240xf32, #tpu.memory_space<hbm>> -> memref<1x1x10240xf32, #tpu.memory_space<hbm>>
      %dma_start3A_163 = tpu.memref_squeeze %dma_start3A_162 : memref<1x1x10240xf32, #tpu.memory_space<hbm>> -> memref<10240xf32, #tpu.memory_space<hbm>>
      tpu.enqueue_dma source(%arg18 : memref<10240xf32, #tpu.memory_space<vmem>>) target(%dma_start3A_163 : memref<10240xf32, #tpu.memory_space<hbm>>) target_semaphore(%run_scoped3A_157 : memref<!tpu.dma_semaphore, #tpu.memory_space<semaphore_mem>>)
      %dma_wait3A_164 = arith.constant 0 : i32
      %dma_wait3A_165 = tpu.memref_slice %arg8[%run_scoped3A_155, %add3A, %dma_wait3A_164] : memref<4x32x10240xf32, #tpu.memory_space<hbm>> -> memref<1x1x10240xf32, #tpu.memory_space<hbm>>
      %dma_wait3A_166 = tpu.memref_squeeze %dma_wait3A_165 : memref<1x1x10240xf32, #tpu.memory_space<hbm>> -> memref<10240xf32, #tpu.memory_space<hbm>>
      %dma_wait3A_167 = arith.constant 0 : i32
      %dma_wait3A_168 = tpu.memref_slice %arg8[%run_scoped3A_155, %add3A, %dma_wait3A_167] : memref<4x32x10240xf32, #tpu.memory_space<hbm>> -> memref<1x1x10240xf32, #tpu.memory_space<hbm>>
      %dma_wait3A_169 = tpu.memref_squeeze %dma_wait3A_168 : memref<1x1x10240xf32, #tpu.memory_space<hbm>> -> memref<10240xf32, #tpu.memory_space<hbm>>
      tpu.wait_dma2 semaphore(%run_scoped3A_157 : memref<!tpu.dma_semaphore, #tpu.memory_space<semaphore_mem>>) src(%arg18 : memref<10240xf32, #tpu.memory_space<vmem>>) dst(%dma_wait3A_169 : memref<10240xf32, #tpu.memory_space<hbm>>)
      tpu.yield
    }) : () -> ()
    %run_scoped3A_156 = arith.constant 3 : i32
    "tpu.region"() ({
      %run_scoped3A_157 = tpu.sem_alloc : memref<!tpu.dma_semaphore, #tpu.memory_space<semaphore_mem>>
      %dma_start3A_158 = arith.constant 0 : i32
      %dma_start3A_159 = tpu.memref_slice %arg8[%run_scoped3A_156, %add3A, %dma_start3A_158] : memref<4x32x10240xf32, #tpu.memory_space<hbm>> -> memref<1x1x10240xf32, #tpu.memory_space<hbm>>
      %dma_start3A_160 = tpu.memref_squeeze %dma_start3A_159 : memref<1x1x10240xf32, #tpu.memory_space<hbm>> -> memref<10240xf32, #tpu.memory_space<hbm>>
      %dma_start3A_161 = arith.constant 0 : i32
      %dma_start3A_162 = tpu.memref_slice %arg8[%run_scoped3A_156, %add3A, %dma_start3A_161] : memref<4x32x10240xf32, #tpu.memory_space<hbm>> -> memref<1x1x10240xf32, #tpu.memory_space<hbm>>
      %dma_start3A_163 = tpu.memref_squeeze %dma_start3A_162 : memref<1x1x10240xf32, #tpu.memory_space<hbm>> -> memref<10240xf32, #tpu.memory_space<hbm>>
      tpu.enqueue_dma source(%arg19 : memref<10240xf32, #tpu.memory_space<vmem>>) target(%dma_start3A_163 : memref<10240xf32, #tpu.memory_space<hbm>>) target_semaphore(%run_scoped3A_157 : memref<!tpu.dma_semaphore, #tpu.memory_space<semaphore_mem>>)
      %dma_wait3A_164 = arith.constant 0 : i32
      %dma_wait3A_165 = tpu.memref_slice %arg8[%run_scoped3A_156, %add3A, %dma_wait3A_164] : memref<4x32x10240xf32, #tpu.memory_space<hbm>> -> memref<1x1x10240xf32, #tpu.memory_space<hbm>>
      %dma_wait3A_166 = tpu.memref_squeeze %dma_wait3A_165 : memref<1x1x10240xf32, #tpu.memory_space<hbm>> -> memref<10240xf32, #tpu.memory_space<hbm>>
      %dma_wait3A_167 = arith.constant 0 : i32
      %dma_wait3A_168 = tpu.memref_slice %arg8[%run_scoped3A_156, %add3A, %dma_wait3A_167] : memref<4x32x10240xf32, #tpu.memory_space<hbm>> -> memref<1x1x10240xf32, #tpu.memory_space<hbm>>
      %dma_wait3A_169 = tpu.memref_squeeze %dma_wait3A_168 : memref<1x1x10240xf32, #tpu.memory_space<hbm>> -> memref<10240xf32, #tpu.memory_space<hbm>>
      tpu.wait_dma2 semaphore(%run_scoped3A_157 : memref<!tpu.dma_semaphore, #tpu.memory_space<semaphore_mem>>) src(%arg19 : memref<10240xf32, #tpu.memory_space<vmem>>) dst(%dma_wait3A_169 : memref<10240xf32, #tpu.memory_space<hbm>>)
      tpu.yield
    }) : () -> ()
    "tpu.region"() ({
      %run_scoped3A_157 = tpu.sem_alloc : memref<!tpu.dma_semaphore, #tpu.memory_space<semaphore_mem>>
      %dma_start3A_158 = arith.constant 0 : i32
      %dma_start3A_159 = tpu.memref_slice %arg9[%add3A, %dma_start3A_158] : memref<32x10240xf32, #tpu.memory_space<hbm>> -> memref<1x10240xf32, #tpu.memory_space<hbm>>
      %dma_start3A_160 = tpu.memref_squeeze %dma_start3A_159 : memref<1x10240xf32, #tpu.memory_space<hbm>> -> memref<10240xf32, #tpu.memory_space<hbm>>
      %dma_start3A_161 = arith.constant 0 : i32
      %dma_start3A_162 = tpu.memref_slice %arg9[%add3A, %dma_start3A_161] : memref<32x10240xf32, #tpu.memory_space<hbm>> -> memref<1x10240xf32, #tpu.memory_space<hbm>>
      %dma_start3A_163 = tpu.memref_squeeze %dma_start3A_162 : memref<1x10240xf32, #tpu.memory_space<hbm>> -> memref<10240xf32, #tpu.memory_space<hbm>>
      tpu.enqueue_dma source(%arg20 : memref<10240xf32, #tpu.memory_space<vmem>>) target(%dma_start3A_163 : memref<10240xf32, #tpu.memory_space<hbm>>) target_semaphore(%run_scoped3A_157 : memref<!tpu.dma_semaphore, #tpu.memory_space<semaphore_mem>>)
      %dma_wait3A_164 = arith.constant 0 : i32
      %dma_wait3A_165 = tpu.memref_slice %arg9[%add3A, %dma_wait3A_164] : memref<32x10240xf32, #tpu.memory_space<hbm>> -> memref<1x10240xf32, #tpu.memory_space<hbm>>
      %dma_wait3A_166 = tpu.memref_squeeze %dma_wait3A_165 : memref<1x10240xf32, #tpu.memory_space<hbm>> -> memref<10240xf32, #tpu.memory_space<hbm>>
      %dma_wait3A_167 = arith.constant 0 : i32
      %dma_wait3A_168 = tpu.memref_slice %arg9[%add3A, %dma_wait3A_167] : memref<32x10240xf32, #tpu.memory_space<hbm>> -> memref<1x10240xf32, #tpu.memory_space<hbm>>
      %dma_wait3A_169 = tpu.memref_squeeze %dma_wait3A_168 : memref<1x10240xf32, #tpu.memory_space<hbm>> -> memref<10240xf32, #tpu.memory_space<hbm>>
      tpu.wait_dma2 semaphore(%run_scoped3A_157 : memref<!tpu.dma_semaphore, #tpu.memory_space<semaphore_mem>>) src(%arg20 : memref<10240xf32, #tpu.memory_space<vmem>>) dst(%dma_wait3A_169 : memref<10240xf32, #tpu.memory_space<hbm>>)
      tpu.yield
    }) : () -> ()
    return
  }
}

module attributes {stable_mosaic.version = 14 : i64} {
  func.func @_prep_body(%arg0: memref<10000x4xf32, #tpu.memory_space<vmem>>, %arg1: memref<1250x128xf32, #tpu.memory_space<vmem>>, %arg2: memref<4x512xf32, #tpu.memory_space<vmem>>, %arg3: memref<512xf32, #tpu.memory_space<vmem>>, %arg4: memref<512xf32, #tpu.memory_space<vmem>>, %arg5: memref<1x512xf32, #tpu.memory_space<vmem>>, %arg6: memref<512xf32, #tpu.memory_space<vmem>>, %arg7: memref<4x10240xf32, #tpu.memory_space<vmem>>, %arg8: memref<10240xf32, #tpu.memory_space<vmem>>, %arg9: memref<10240xf32, #tpu.memory_space<vmem>>, %arg10: memref<8x128xf32, #tpu.memory_space<vmem>>) attributes {dimension_semantics = [], scalar_prefetch = 0 : i64, scratch_operands = 0 : i64, tpu.core_type = #tpu.core_type<tc>} {
    %get3A = arith.constant 0 : index
    %get3A_0 = arith.constant 0 : index
    %get3A_1 = vector.load %arg0[%get3A, %get3A_0] : memref<10000x4xf32, #tpu.memory_space<vmem>>, vector<10000x4xf32>
    %get3A_2 = arith.constant 0 : index
    %get3A_3 = arith.constant 0 : index
    %get3A_4 = vector.load %arg2[%get3A_2, %get3A_3] : memref<4x512xf32, #tpu.memory_space<vmem>>, vector<4x512xf32>
    %get3A_5 = arith.constant 0 : index
    %get3A_6 = vector.load %arg3[%get3A_5] : memref<512xf32, #tpu.memory_space<vmem>>, vector<512xf32>
    %broadcast_in_dim3A = vector.shape_cast %get3A_6 : vector<512xf32> to vector<1x512xf32>
    %mul3A = vector.broadcast %broadcast_in_dim3A : vector<1x512xf32> to vector<4x512xf32>
    %mul3A_7 = arith.mulf %get3A_4, %mul3A : vector<4x512xf32>
    %reduce_sum3A = arith.constant dense<0.000000e+00> : vector<4xf32>
    %reduce_sum3A_8 = vector.multi_reduction <add>, %mul3A_7, %reduce_sum3A [1] : vector<4x512xf32> to vector<4xf32>
    %get3A_9 = arith.constant 0 : index
    %get3A_10 = vector.load %arg4[%get3A_9] : memref<512xf32, #tpu.memory_space<vmem>>, vector<512xf32>
    %broadcast_in_dim3A_11 = vector.shape_cast %get3A_10 : vector<512xf32> to vector<1x512xf32>
    %mul3A_12 = vector.broadcast %broadcast_in_dim3A_11 : vector<1x512xf32> to vector<4x512xf32>
    %mul3A_13 = arith.mulf %get3A_4, %mul3A_12 : vector<4x512xf32>
    %reduce_sum3A_14 = arith.constant dense<0.000000e+00> : vector<4xf32>
    %reduce_sum3A_15 = vector.multi_reduction <add>, %mul3A_13, %reduce_sum3A_14 [1] : vector<4x512xf32> to vector<4xf32>
    %get3A_16 = arith.constant 0 : index
    %get3A_17 = arith.constant 0 : index
    %get3A_18 = vector.load %arg5[%get3A_16, %get3A_17] : memref<1x512xf32, #tpu.memory_space<vmem>>, vector<1x512xf32>
    %squeeze3A = vector.shape_cast %get3A_18 : vector<1x512xf32> to vector<512xf32>
    %get3A_19 = arith.constant 0 : index
    %get3A_20 = vector.load %arg6[%get3A_19] : memref<512xf32, #tpu.memory_space<vmem>>, vector<512xf32>
    %mul3A_21 = arith.mulf %squeeze3A, %get3A_20 : vector<512xf32>
    %reduce_sum3A_22 = vector.shape_cast %mul3A_21 : vector<512xf32> to vector<1x512xf32>
    %reduce_sum3A_23 = arith.constant dense<0.000000e+00> : vector<1xf32>
    %reduce_sum3A_24 = vector.multi_reduction <add>, %reduce_sum3A_22, %reduce_sum3A_23 [1] : vector<1x512xf32> to vector<1xf32>
    %reduce_sum3A_25 = vector.shape_cast %reduce_sum3A_24 : vector<1xf32> to vector<1x1xf32>
    %reduce_sum3A_26 = vector.extract %reduce_sum3A_25[0, 0] : f32 from vector<1x1xf32>
    %iota3A = tpu.iota {dimensions = array<i32: 0>} : vector<4x4xi32>
    %iota3A_27 = tpu.iota {dimensions = array<i32: 1>} : vector<4x4xi32>
    %add3A = arith.constant 0 : i32
    %add3A_28 = vector.broadcast %add3A : i32 to vector<4x4xi32>
    %add3A_29 = arith.addi %iota3A, %add3A_28 : vector<4x4xi32>
    %eq3A = arith.cmpi eq, %add3A_29, %iota3A_27 : vector<4x4xi32>
    %convert_element_type3A = arith.extui %eq3A : vector<4x4xi1> to vector<4x4xi32>
    %convert_element_type3A_30 = arith.sitofp %convert_element_type3A : vector<4x4xi32> to vector<4x4xf32>
    %dot_general3A = arith.constant dense<0.000000e+00> : vector<4x10000xf32>
    %dot_general3A_31 = tpu.matmul %convert_element_type3A_30, %get3A_1, %dot_general3A {dimension_numbers = #tpu.dot_dimension_numbers<[1], [1], [0], [0], [0, 0, 1, 0], [], []>, transpose_lhs_hint = false} : vector<4x4xf32>, vector<10000x4xf32>, vector<4x10000xf32> -> vector<4x10000xf32>
    %broadcast_in_dim3A_32 = arith.constant 0.000000e+00 : f32
    %broadcast_in_dim3A_33 = vector.broadcast %broadcast_in_dim3A_32 : f32 to vector<4x240xf32>
    %concatenate3A = tpu.concatenate %dot_general3A_31, %broadcast_in_dim3A_33 in 1 : vector<4x10000xf32>, vector<4x240xf32> -> vector<4x10240xf32>
    %slice3A = vector.extract_strided_slice %reduce_sum3A_8 {offsets = [0], sizes = [1], strides = [1]} : vector<4xf32> to vector<1xf32>
    %squeeze3A_34 = vector.extract %slice3A[0] : f32 from vector<1xf32>
    %slice3A_35 = vector.extract_strided_slice %concatenate3A {offsets = [0, 0], sizes = [1, 10240], strides = [1, 1]} : vector<4x10240xf32> to vector<1x10240xf32>
    %squeeze3A_36 = vector.shape_cast %slice3A_35 : vector<1x10240xf32> to vector<10240xf32>
    %mul3A_37 = vector.broadcast %squeeze3A_34 : f32 to vector<10240xf32>
    %mul3A_38 = arith.mulf %mul3A_37, %squeeze3A_36 : vector<10240xf32>
    %slice3A_39 = vector.extract_strided_slice %reduce_sum3A_8 {offsets = [1], sizes = [1], strides = [1]} : vector<4xf32> to vector<1xf32>
    %squeeze3A_40 = vector.extract %slice3A_39[0] : f32 from vector<1xf32>
    %slice3A_41 = vector.extract_strided_slice %concatenate3A {offsets = [1, 0], sizes = [1, 10240], strides = [1, 1]} : vector<4x10240xf32> to vector<1x10240xf32>
    %squeeze3A_42 = vector.shape_cast %slice3A_41 : vector<1x10240xf32> to vector<10240xf32>
    %mul3A_43 = vector.broadcast %squeeze3A_40 : f32 to vector<10240xf32>
    %mul3A_44 = arith.mulf %mul3A_43, %squeeze3A_42 : vector<10240xf32>
    %add3A_45 = arith.addf %mul3A_38, %mul3A_44 : vector<10240xf32>
    %slice3A_46 = vector.extract_strided_slice %reduce_sum3A_8 {offsets = [2], sizes = [1], strides = [1]} : vector<4xf32> to vector<1xf32>
    %squeeze3A_47 = vector.extract %slice3A_46[0] : f32 from vector<1xf32>
    %slice3A_48 = vector.extract_strided_slice %concatenate3A {offsets = [2, 0], sizes = [1, 10240], strides = [1, 1]} : vector<4x10240xf32> to vector<1x10240xf32>
    %squeeze3A_49 = vector.shape_cast %slice3A_48 : vector<1x10240xf32> to vector<10240xf32>
    %mul3A_50 = vector.broadcast %squeeze3A_47 : f32 to vector<10240xf32>
    %mul3A_51 = arith.mulf %mul3A_50, %squeeze3A_49 : vector<10240xf32>
    %add3A_52 = arith.addf %add3A_45, %mul3A_51 : vector<10240xf32>
    %slice3A_53 = vector.extract_strided_slice %reduce_sum3A_8 {offsets = [3], sizes = [1], strides = [1]} : vector<4xf32> to vector<1xf32>
    %squeeze3A_54 = vector.extract %slice3A_53[0] : f32 from vector<1xf32>
    %slice3A_55 = vector.extract_strided_slice %concatenate3A {offsets = [3, 0], sizes = [1, 10240], strides = [1, 1]} : vector<4x10240xf32> to vector<1x10240xf32>
    %squeeze3A_56 = vector.shape_cast %slice3A_55 : vector<1x10240xf32> to vector<10240xf32>
    %mul3A_57 = vector.broadcast %squeeze3A_54 : f32 to vector<10240xf32>
    %mul3A_58 = arith.mulf %mul3A_57, %squeeze3A_56 : vector<10240xf32>
    %add3A_59 = arith.addf %add3A_52, %mul3A_58 : vector<10240xf32>
    %slice3A_60 = vector.extract_strided_slice %reduce_sum3A_15 {offsets = [0], sizes = [1], strides = [1]} : vector<4xf32> to vector<1xf32>
    %squeeze3A_61 = vector.extract %slice3A_60[0] : f32 from vector<1xf32>
    %slice3A_62 = vector.extract_strided_slice %concatenate3A {offsets = [0, 0], sizes = [1, 10240], strides = [1, 1]} : vector<4x10240xf32> to vector<1x10240xf32>
    %squeeze3A_63 = vector.shape_cast %slice3A_62 : vector<1x10240xf32> to vector<10240xf32>
    %mul3A_64 = vector.broadcast %squeeze3A_61 : f32 to vector<10240xf32>
    %mul3A_65 = arith.mulf %mul3A_64, %squeeze3A_63 : vector<10240xf32>
    %slice3A_66 = vector.extract_strided_slice %reduce_sum3A_15 {offsets = [1], sizes = [1], strides = [1]} : vector<4xf32> to vector<1xf32>
    %squeeze3A_67 = vector.extract %slice3A_66[0] : f32 from vector<1xf32>
    %slice3A_68 = vector.extract_strided_slice %concatenate3A {offsets = [1, 0], sizes = [1, 10240], strides = [1, 1]} : vector<4x10240xf32> to vector<1x10240xf32>
    %squeeze3A_69 = vector.shape_cast %slice3A_68 : vector<1x10240xf32> to vector<10240xf32>
    %mul3A_70 = vector.broadcast %squeeze3A_67 : f32 to vector<10240xf32>
    %mul3A_71 = arith.mulf %mul3A_70, %squeeze3A_69 : vector<10240xf32>
    %add3A_72 = arith.addf %mul3A_65, %mul3A_71 : vector<10240xf32>
    %slice3A_73 = vector.extract_strided_slice %reduce_sum3A_15 {offsets = [2], sizes = [1], strides = [1]} : vector<4xf32> to vector<1xf32>
    %squeeze3A_74 = vector.extract %slice3A_73[0] : f32 from vector<1xf32>
    %slice3A_75 = vector.extract_strided_slice %concatenate3A {offsets = [2, 0], sizes = [1, 10240], strides = [1, 1]} : vector<4x10240xf32> to vector<1x10240xf32>
    %squeeze3A_76 = vector.shape_cast %slice3A_75 : vector<1x10240xf32> to vector<10240xf32>
    %mul3A_77 = vector.broadcast %squeeze3A_74 : f32 to vector<10240xf32>
    %mul3A_78 = arith.mulf %mul3A_77, %squeeze3A_76 : vector<10240xf32>
    %add3A_79 = arith.addf %add3A_72, %mul3A_78 : vector<10240xf32>
    %slice3A_80 = vector.extract_strided_slice %reduce_sum3A_15 {offsets = [3], sizes = [1], strides = [1]} : vector<4xf32> to vector<1xf32>
    %squeeze3A_81 = vector.extract %slice3A_80[0] : f32 from vector<1xf32>
    %slice3A_82 = vector.extract_strided_slice %concatenate3A {offsets = [3, 0], sizes = [1, 10240], strides = [1, 1]} : vector<4x10240xf32> to vector<1x10240xf32>
    %squeeze3A_83 = vector.shape_cast %slice3A_82 : vector<1x10240xf32> to vector<10240xf32>
    %mul3A_84 = vector.broadcast %squeeze3A_81 : f32 to vector<10240xf32>
    %mul3A_85 = arith.mulf %mul3A_84, %squeeze3A_83 : vector<10240xf32>
    %add3A_86 = arith.addf %add3A_79, %mul3A_85 : vector<10240xf32>
    %get3A_87 = arith.constant 0 : index
    %get3A_88 = arith.constant 0 : index
    %get3A_89 = vector.load %arg1[%get3A_87, %get3A_88] : memref<1250x128xf32, #tpu.memory_space<vmem>>, vector<1250x128xf32>
    %reduce_sum3A_90 = vector.shape_cast %get3A_89 : vector<1250x128xf32> to vector<1x1250x128xf32>
    %reduce_sum3A_91 = arith.constant dense<0.000000e+00> : vector<1xf32>
    %reduce_sum3A_92 = vector.multi_reduction <add>, %reduce_sum3A_90, %reduce_sum3A_91 [1, 2] : vector<1x1250x128xf32> to vector<1xf32>
    %reduce_sum3A_93 = vector.shape_cast %reduce_sum3A_92 : vector<1xf32> to vector<1x1x1xf32>
    %reduce_sum3A_94 = vector.extract %reduce_sum3A_93[0, 0, 0] : f32 from vector<1x1x1xf32>
    %div3A = arith.constant 1.600000e+05 : f32
    %div3A_95 = arith.divf %reduce_sum3A_94, %div3A : f32
    %add3A_96 = arith.addf %add3A_59, %add3A_86 : vector<10240xf32>
    %mul3A_97 = arith.mulf %reduce_sum3A_26, %div3A_95 : f32
    %add3A_98 = vector.broadcast %mul3A_97 : f32 to vector<10240xf32>
    %add3A_99 = arith.addf %add3A_96, %add3A_98 : vector<10240xf32>
    %gt3A = arith.constant 0.000000e+00 : f32
    %gt3A_100 = vector.broadcast %gt3A : f32 to vector<10240xf32>
    %gt3A_101 = arith.cmpf ogt, %add3A_99, %gt3A_100 : vector<10240xf32>
    %mul3A_102 = arith.constant 2.000000e-01 : f32
    %mul3A_103 = vector.broadcast %mul3A_102 : f32 to vector<10240xf32>
    %mul3A_104 = arith.mulf %mul3A_103, %add3A_99 : vector<10240xf32>
    %select_n3A = arith.select %gt3A_101, %add3A_99, %mul3A_104 : vector<10240xi1>, vector<10240xf32>
    %reduce_max3A = vector.shape_cast %add3A_59 : vector<10240xf32> to vector<1x10240xf32>
    %reduce_max3A_105 = arith.constant dense<0xFF800000> : vector<1xf32>
    %reduce_max3A_106 = vector.multi_reduction <maximumf>, %reduce_max3A, %reduce_max3A_105 [1] : vector<1x10240xf32> to vector<1xf32>
    %reduce_max3A_107 = vector.shape_cast %reduce_max3A_106 : vector<1xf32> to vector<1x1xf32>
    %reduce_max3A_108 = vector.extract %reduce_max3A_107[0, 0] : f32 from vector<1x1xf32>
    %reduce_max3A_109 = vector.shape_cast %add3A_86 : vector<10240xf32> to vector<1x10240xf32>
    %reduce_max3A_110 = arith.constant dense<0xFF800000> : vector<1xf32>
    %reduce_max3A_111 = vector.multi_reduction <maximumf>, %reduce_max3A_109, %reduce_max3A_110 [1] : vector<1x10240xf32> to vector<1xf32>
    %reduce_max3A_112 = vector.shape_cast %reduce_max3A_111 : vector<1xf32> to vector<1x1xf32>
    %reduce_max3A_113 = vector.extract %reduce_max3A_112[0, 0] : f32 from vector<1x1xf32>
    %add3A_114 = arith.addf %reduce_max3A_108, %reduce_max3A_113 : f32
    %mul3A_115 = vector.broadcast %reduce_sum3A_26 : f32 to vector<1250x128xf32>
    %mul3A_116 = arith.mulf %mul3A_115, %get3A_89 : vector<1250x128xf32>
    %reduce_max3A_117 = vector.shape_cast %mul3A_116 : vector<1250x128xf32> to vector<1x1250x128xf32>
    %reduce_max3A_118 = arith.constant dense<0xFF800000> : vector<1xf32>
    %reduce_max3A_119 = vector.multi_reduction <maximumf>, %reduce_max3A_117, %reduce_max3A_118 [1, 2] : vector<1x1250x128xf32> to vector<1xf32>
    %reduce_max3A_120 = vector.shape_cast %reduce_max3A_119 : vector<1xf32> to vector<1x1x1xf32>
    %reduce_max3A_121 = vector.extract %reduce_max3A_120[0, 0, 0] : f32 from vector<1x1x1xf32>
    %add3A_122 = arith.addf %add3A_114, %reduce_max3A_121 : f32
    %gt3A_123 = arith.constant 0.000000e+00 : f32
    %gt3A_124 = arith.cmpf ogt, %add3A_122, %gt3A_123 : f32
    %mul3A_125 = arith.constant 2.000000e-01 : f32
    %mul3A_126 = arith.mulf %mul3A_125, %add3A_122 : f32
    %select_n3A_127 = arith.select %gt3A_124, %add3A_122, %mul3A_126 : f32
    %reduce_max3A_128 = vector.shape_cast %select_n3A : vector<10240xf32> to vector<1x10240xf32>
    %reduce_max3A_129 = arith.constant dense<0xFF800000> : vector<1xf32>
    %reduce_max3A_130 = vector.multi_reduction <maximumf>, %reduce_max3A_128, %reduce_max3A_129 [1] : vector<1x10240xf32> to vector<1xf32>
    %reduce_max3A_131 = vector.shape_cast %reduce_max3A_130 : vector<1xf32> to vector<1x1xf32>
    %reduce_max3A_132 = vector.extract %reduce_max3A_131[0, 0] : f32 from vector<1x1xf32>
    %max3A = arith.maximumf %select_n3A_127, %reduce_max3A_132 : f32
    %swap3A = arith.constant 0 : index
    %swap3A_133 = arith.constant 0 : index
    %swap3A_134 = vector.load %arg7[%swap3A, %swap3A_133] : memref<4x10240xf32, #tpu.memory_space<vmem>>, vector<4x10240xf32>
    tpu.vector_store %arg7[%swap3A, %swap3A_133], %concatenate3A {strides = array<i32>} : memref<4x10240xf32, #tpu.memory_space<vmem>>, vector<4x10240xf32>,
    %swap3A_135 = arith.constant 0 : index
    %swap3A_136 = vector.load %arg8[%swap3A_135] : memref<10240xf32, #tpu.memory_space<vmem>>, vector<10240xf32>
    tpu.vector_store %arg8[%swap3A_135], %add3A_86 {strides = array<i32>} : memref<10240xf32, #tpu.memory_space<vmem>>, vector<10240xf32>,
    %swap3A_137 = arith.constant 0 : index
    %swap3A_138 = vector.load %arg9[%swap3A_137] : memref<10240xf32, #tpu.memory_space<vmem>>, vector<10240xf32>
    tpu.vector_store %arg9[%swap3A_137], %select_n3A {strides = array<i32>} : memref<10240xf32, #tpu.memory_space<vmem>>, vector<10240xf32>,
    %broadcast_in_dim3A_139 = vector.broadcast %reduce_sum3A_26 : f32 to vector<128xf32>
    %broadcast_in_dim3A_140 = vector.broadcast %max3A : f32 to vector<128xf32>
    %slice3A_141 = vector.extract_strided_slice %reduce_sum3A_8 {offsets = [0], sizes = [1], strides = [1]} : vector<4xf32> to vector<1xf32>
    %squeeze3A_142 = vector.extract %slice3A_141[0] : f32 from vector<1xf32>
    %broadcast_in_dim3A_143 = vector.broadcast %squeeze3A_142 : f32 to vector<128xf32>
    %slice3A_144 = vector.extract_strided_slice %reduce_sum3A_8 {offsets = [1], sizes = [1], strides = [1]} : vector<4xf32> to vector<1xf32>
    %squeeze3A_145 = vector.extract %slice3A_144[0] : f32 from vector<1xf32>
    %broadcast_in_dim3A_146 = vector.broadcast %squeeze3A_145 : f32 to vector<128xf32>
    %slice3A_147 = vector.extract_strided_slice %reduce_sum3A_8 {offsets = [2], sizes = [1], strides = [1]} : vector<4xf32> to vector<1xf32>
    %squeeze3A_148 = vector.extract %slice3A_147[0] : f32 from vector<1xf32>
    %broadcast_in_dim3A_149 = vector.broadcast %squeeze3A_148 : f32 to vector<128xf32>
    %slice3A_150 = vector.extract_strided_slice %reduce_sum3A_8 {offsets = [3], sizes = [1], strides = [1]} : vector<4xf32> to vector<1xf32>
    %squeeze3A_151 = vector.extract %slice3A_150[0] : f32 from vector<1xf32>
    %broadcast_in_dim3A_152 = vector.broadcast %squeeze3A_151 : f32 to vector<128xf32>
    %broadcast_in_dim3A_153 = arith.constant 0.000000e+00 : f32
    %broadcast_in_dim3A_154 = vector.broadcast %broadcast_in_dim3A_153 : f32 to vector<128xf32>
    %broadcast_in_dim3A_155 = arith.constant 0.000000e+00 : f32
    %broadcast_in_dim3A_156 = vector.broadcast %broadcast_in_dim3A_155 : f32 to vector<128xf32>
    %stack3A = vector.shape_cast %broadcast_in_dim3A_139 : vector<128xf32> to vector<1x128xf32>
    %stack3A_157 = vector.shape_cast %broadcast_in_dim3A_140 : vector<128xf32> to vector<1x128xf32>
    %stack3A_158 = vector.shape_cast %broadcast_in_dim3A_143 : vector<128xf32> to vector<1x128xf32>
    %stack3A_159 = vector.shape_cast %broadcast_in_dim3A_146 : vector<128xf32> to vector<1x128xf32>
    %stack3A_160 = vector.shape_cast %broadcast_in_dim3A_149 : vector<128xf32> to vector<1x128xf32>
    %stack3A_161 = vector.shape_cast %broadcast_in_dim3A_152 : vector<128xf32> to vector<1x128xf32>
    %stack3A_162 = vector.shape_cast %broadcast_in_dim3A_154 : vector<128xf32> to vector<1x128xf32>
    %stack3A_163 = vector.shape_cast %broadcast_in_dim3A_156 : vector<128xf32> to vector<1x128xf32>
    %stack3A_164 = tpu.concatenate %stack3A, %stack3A_157, %stack3A_158, %stack3A_159, %stack3A_160, %stack3A_161, %stack3A_162, %stack3A_163 in 0 : vector<1x128xf32>, vector<1x128xf32>, vector<1x128xf32>, vector<1x128xf32>, vector<1x128xf32>, vector<1x128xf32>, vector<1x128xf32>, vector<1x128xf32> -> vector<8x128xf32>
    %swap3A_165 = arith.constant 0 : index
    %swap3A_166 = arith.constant 0 : index
    %swap3A_167 = vector.load %arg10[%swap3A_165, %swap3A_166] : memref<8x128xf32, #tpu.memory_space<vmem>>, vector<8x128xf32>
    tpu.vector_store %arg10[%swap3A_165, %swap3A_166], %stack3A_164 {strides = array<i32>} : memref<8x128xf32, #tpu.memory_space<vmem>>, vector<8x128xf32>,
    return
  }
}

module attributes {stable_mosaic.version = 14 : i64} {
  func.func @_mid_body(%arg0: i32, %arg1: memref<32x2048xf32, #tpu.memory_space<vmem>>, %arg2: memref<32x2048xf32, #tpu.memory_space<vmem>>, %arg3: memref<4x32x2048xf32, #tpu.memory_space<vmem>>, %arg4: memref<2048xf32, #tpu.memory_space<vmem>>, %arg5: memref<4x2048xf32, #tpu.memory_space<vmem>>, %arg6: memref<8x128xf32, #tpu.memory_space<vmem>>, %arg7: memref<4x512xf32, #tpu.memory_space<vmem>>, %arg8: memref<512xf32, #tpu.memory_space<vmem>>, %arg9: memref<1x1xf32, #tpu.memory_space<vmem>>, %arg10: memref<512x1xf32, #tpu.memory_space<vmem>>, %arg11: memref<2048xf32, #tpu.memory_space<vmem>>, %arg12: memref<2048xf32, #tpu.memory_space<vmem>>, %arg13: memref<2048xf32, #tpu.memory_space<vmem>>) attributes {dimension_semantics = [#tpu.dimension_semantics<arbitrary>], iteration_bounds = array<i64: 5>, scalar_prefetch = 0 : i64, scratch_operands = 0 : i64, tpu.core_type = #tpu.core_type<tc>, window_params = [{transform_indices = @transform_0, window_bounds = array<i64: 32, 2048>}, {transform_indices = @transform_1, window_bounds = array<i64: 32, 2048>}, {transform_indices = @transform_2, window_bounds = array<i64: 4, 32, 2048>}, {transform_indices = @transform_3, window_bounds = array<i64: 2048>}, {transform_indices = @transform_4, window_bounds = array<i64: 4, 2048>}, {pipeline_mode = #tpu.pipeline_mode<synchronous>, transform_indices = @transform_5, window_bounds = array<i64: 8, 128>}, {pipeline_mode = #tpu.pipeline_mode<synchronous>, transform_indices = @transform_6, window_bounds = array<i64: 4, 512>}, {pipeline_mode = #tpu.pipeline_mode<synchronous>, transform_indices = @transform_7, window_bounds = array<i64: 512>}, {pipeline_mode = #tpu.pipeline_mode<synchronous>, transform_indices = @transform_8, window_bounds = array<i64: 1, 1>}, {pipeline_mode = #tpu.pipeline_mode<synchronous>, transform_indices = @transform_9, window_bounds = array<i64: 512, 1>}, {transform_indices = @transform_10, window_bounds = array<i64: 2048>}, {transform_indices = @transform_11, window_bounds = array<i64: 2048>}, {transform_indices = @transform_12, window_bounds = array<i64: 2048>}]} {
    %get3A = arith.constant 0 : index
    %get3A_0 = arith.constant 0 : index
    %get3A_1 = vector.load %arg1[%get3A, %get3A_0] : memref<32x2048xf32, #tpu.memory_space<vmem>>, vector<32x2048xf32>
    %reduce_sum3A = arith.constant dense<0.000000e+00> : vector<2048xf32>
    %reduce_sum3A_2 = vector.multi_reduction <add>, %get3A_1, %reduce_sum3A [0] : vector<32x2048xf32> to vector<2048xf32>
    %add3A = arith.constant 1.000000e+00 : f32
    %add3A_3 = vector.broadcast %add3A : f32 to vector<2048xf32>
    %add3A_4 = arith.addf %reduce_sum3A_2, %add3A_3 : vector<2048xf32>
    %rsqrt3A = math.rsqrt %add3A_4 : vector<2048xf32>
    %get3A_5 = arith.constant 0 : index
    %get3A_6 = arith.constant 0 : index
    %get3A_7 = vector.load %arg6[%get3A_5, %get3A_6] : memref<8x128xf32, #tpu.memory_space<vmem>>, vector<8x128xf32>
    %slice3A = vector.extract_strided_slice %get3A_7 {offsets = [1, 0], sizes = [1, 1], strides = [1, 1]} : vector<8x128xf32> to vector<1x1xf32>
    %squeeze3A = vector.extract %slice3A[0, 0] : f32 from vector<1x1xf32>
    %get3A_8 = arith.constant 0 : index
    %get3A_9 = vector.load %arg4[%get3A_8] : memref<2048xf32, #tpu.memory_space<vmem>>, vector<2048xf32>
    %sub3A = vector.broadcast %squeeze3A : f32 to vector<2048xf32>
    %sub3A_10 = arith.subf %get3A_9, %sub3A : vector<2048xf32>
    %exp3A = math.exp %sub3A_10 : vector<2048xf32>
    %get3A_11 = arith.constant 0 : index
    %get3A_12 = arith.constant 0 : index
    %get3A_13 = vector.load %arg2[%get3A_11, %get3A_12] : memref<32x2048xf32, #tpu.memory_space<vmem>>, vector<32x2048xf32>
    %reduce_sum3A_14 = arith.constant dense<0.000000e+00> : vector<2048xf32>
    %reduce_sum3A_15 = vector.multi_reduction <add>, %get3A_13, %reduce_sum3A_14 [0] : vector<32x2048xf32> to vector<2048xf32>
    %add3A_16 = arith.addf %reduce_sum3A_15, %exp3A : vector<2048xf32>
    %get3A_17 = arith.constant 0 : index
    %get3A_18 = arith.constant 0 : index
    %get3A_19 = arith.constant 0 : index
    %get3A_20 = vector.load %arg3[%get3A_17, %get3A_18, %get3A_19] : memref<4x32x2048xf32, #tpu.memory_space<vmem>>, vector<4x32x2048xf32>
    %reduce_sum3A_21 = arith.constant dense<0.000000e+00> : vector<4x2048xf32>
    %reduce_sum3A_22 = vector.multi_reduction <add>, %get3A_20, %reduce_sum3A_21 [1] : vector<4x32x2048xf32> to vector<4x2048xf32>
    %broadcast_in_dim3A = vector.shape_cast %exp3A : vector<2048xf32> to vector<1x2048xf32>
    %get3A_23 = arith.constant 0 : index
    %get3A_24 = arith.constant 0 : index
    %get3A_25 = vector.load %arg5[%get3A_23, %get3A_24] : memref<4x2048xf32, #tpu.memory_space<vmem>>, vector<4x2048xf32>
    %mul3A = vector.broadcast %broadcast_in_dim3A : vector<1x2048xf32> to vector<4x2048xf32>
    %mul3A_26 = arith.mulf %mul3A, %get3A_25 : vector<4x2048xf32>
    %add3A_27 = arith.addf %reduce_sum3A_22, %mul3A_26 : vector<4x2048xf32>
    %add3A_28 = arith.constant 1.000000e-16 : f32
    %add3A_29 = vector.broadcast %add3A_28 : f32 to vector<2048xf32>
    %add3A_30 = arith.addf %add3A_16, %add3A_29 : vector<2048xf32>
    %broadcast_in_dim3A_31 = vector.shape_cast %add3A_30 : vector<2048xf32> to vector<1x2048xf32>
    %div3A = vector.broadcast %broadcast_in_dim3A_31 : vector<1x2048xf32> to vector<4x2048xf32>
    %div3A_32 = arith.divf %add3A_27, %div3A : vector<4x2048xf32>
    %get3A_33 = arith.constant 0 : index
    %get3A_34 = arith.constant 0 : index
    %get3A_35 = vector.load %arg7[%get3A_33, %get3A_34] : memref<4x512xf32, #tpu.memory_space<vmem>>, vector<4x512xf32>
    %dot_general3A = arith.constant dense<0.000000e+00> : vector<2048x512xf32>
    %dot_general3A_36 = tpu.matmul %div3A_32, %get3A_35, %dot_general3A {dimension_numbers = #tpu.dot_dimension_numbers<[0], [0], [1], [1], [0, 1, 1, 1], [], []>, transpose_lhs_hint = false} : vector<4x2048xf32>, vector<4x512xf32>, vector<2048x512xf32> -> vector<2048x512xf32>
    %get3A_37 = arith.constant 0 : index
    %get3A_38 = vector.load %arg8[%get3A_37] : memref<512xf32, #tpu.memory_space<vmem>>, vector<512xf32>
    %broadcast_in_dim3A_39 = vector.shape_cast %get3A_38 : vector<512xf32> to vector<1x512xf32>
    %add3A_40 = vector.broadcast %broadcast_in_dim3A_39 : vector<1x512xf32> to vector<2048x512xf32>
    %add3A_41 = arith.addf %dot_general3A_36, %add3A_40 : vector<2048x512xf32>
    %get3A_42 = arith.constant 0 : index
    %get3A_43 = arith.constant 0 : index
    %get3A_44 = vector.load %arg9[%get3A_42, %get3A_43] : memref<1x1xf32, #tpu.memory_space<vmem>>, vector<1x1xf32>
    %squeeze3A_45 = vector.extract %get3A_44[0, 0] : f32 from vector<1x1xf32>
    %gt3A = arith.constant 0.000000e+00 : f32
    %gt3A_46 = vector.broadcast %gt3A : f32 to vector<2048x512xf32>
    %gt3A_47 = arith.cmpf ogt, %add3A_41, %gt3A_46 : vector<2048x512xf32>
    %mul3A_48 = vector.broadcast %squeeze3A_45 : f32 to vector<2048x512xf32>
    %mul3A_49 = arith.mulf %mul3A_48, %add3A_41 : vector<2048x512xf32>
    %select_n3A = arith.select %gt3A_47, %add3A_41, %mul3A_49 : vector<2048x512xi1>, vector<2048x512xf32>
    %get3A_50 = arith.constant 0 : index
    %get3A_51 = arith.constant 0 : index
    %get3A_52 = vector.load %arg10[%get3A_50, %get3A_51] : memref<512x1xf32, #tpu.memory_space<vmem>>, vector<512x1xf32>
    %squeeze3A_53 = vector.shape_cast %get3A_52 : vector<512x1xf32> to vector<512xf32>
    %broadcast_in_dim3A_54 = vector.shape_cast %squeeze3A_53 : vector<512xf32> to vector<1x512xf32>
    %mul3A_55 = vector.broadcast %broadcast_in_dim3A_54 : vector<1x512xf32> to vector<2048x512xf32>
    %mul3A_56 = arith.mulf %select_n3A, %mul3A_55 : vector<2048x512xf32>
    %reduce_sum3A_57 = arith.constant dense<0.000000e+00> : vector<2048xf32>
    %reduce_sum3A_58 = vector.multi_reduction <add>, %mul3A_56, %reduce_sum3A_57 [1] : vector<2048x512xf32> to vector<2048xf32>
    %mul3A_59 = arith.mulf %rsqrt3A, %reduce_sum3A_58 : vector<2048xf32>
    %swap3A = arith.constant 0 : index
    %swap3A_60 = vector.load %arg11[%swap3A] : memref<2048xf32, #tpu.memory_space<vmem>>, vector<2048xf32>
    tpu.vector_store %arg11[%swap3A], %mul3A_59 {strides = array<i32>} : memref<2048xf32, #tpu.memory_space<vmem>>, vector<2048xf32>,
    %swap3A_61 = arith.constant 0 : index
    %swap3A_62 = vector.load %arg12[%swap3A_61] : memref<2048xf32, #tpu.memory_space<vmem>>, vector<2048xf32>
    tpu.vector_store %arg12[%swap3A_61], %rsqrt3A {strides = array<i32>} : memref<2048xf32, #tpu.memory_space<vmem>>, vector<2048xf32>,
    %mul3A_63 = arith.mulf %rsqrt3A, %rsqrt3A : vector<2048xf32>
    %mul3A_64 = arith.mulf %mul3A_63, %reduce_sum3A_58 : vector<2048xf32>
    %swap3A_65 = arith.constant 0 : index
    %swap3A_66 = vector.load %arg13[%swap3A_65] : memref<2048xf32, #tpu.memory_space<vmem>>, vector<2048xf32>
    tpu.vector_store %arg13[%swap3A_65], %mul3A_64 {strides = array<i32>} : memref<2048xf32, #tpu.memory_space<vmem>>, vector<2048xf32>,
    return
  }
  func.func @transform_0(%arg0: i32) -> (i32, i32) {
    %c0_i32 = arith.constant 0 : i32
    %c0_i32_0 = arith.constant 0 : i32
    return %c0_i32, %arg0 : i32, i32
  }
  func.func @transform_1(%arg0: i32) -> (i32, i32) {
    %c0_i32 = arith.constant 0 : i32
    %c0_i32_0 = arith.constant 0 : i32
    return %c0_i32, %arg0 : i32, i32
  }
  func.func @transform_2(%arg0: i32) -> (i32, i32, i32) {
    %c0_i32 = arith.constant 0 : i32
    %c0_i32_0 = arith.constant 0 : i32
    %c0_i32_1 = arith.constant 0 : i32
    return %c0_i32, %c0_i32_0, %arg0 : i32, i32, i32
  }
  func.func @transform_3(%arg0: i32) -> i32 {
    %c0_i32 = arith.constant 0 : i32
    return %arg0 : i32
  }
  func.func @transform_4(%arg0: i32) -> (i32, i32) {
    %c0_i32 = arith.constant 0 : i32
    %c0_i32_0 = arith.constant 0 : i32
    return %c0_i32, %arg0 : i32, i32
  }
  func.func @transform_5(%arg0: i32) -> (i32, i32) {
    %c0_i32 = arith.constant 0 : i32
    %c0_i32_0 = arith.constant 0 : i32
    %c0_i32_1 = arith.constant 0 : i32
    return %c0_i32, %c0_i32_0 : i32, i32
  }
  func.func @transform_6(%arg0: i32) -> (i32, i32) {
    %c0_i32 = arith.constant 0 : i32
    %c0_i32_0 = arith.constant 0 : i32
    %c0_i32_1 = arith.constant 0 : i32
    return %c0_i32, %c0_i32_0 : i32, i32
  }
  func.func @transform_7(%arg0: i32) -> i32 {
    %c0_i32 = arith.constant 0 : i32
    %c0_i32_0 = arith.constant 0 : i32
    return %c0_i32 : i32
  }
  func.func @transform_8(%arg0: i32) -> (i32, i32) {
    %c0_i32 = arith.constant 0 : i32
    %c0_i32_0 = arith.constant 0 : i32
    %c0_i32_1 = arith.constant 0 : i32
    return %c0_i32, %c0_i32_0 : i32, i32
  }
  func.func @transform_9(%arg0: i32) -> (i32, i32) {
    %c0_i32 = arith.constant 0 : i32
    %c0_i32_0 = arith.constant 0 : i32
    %c0_i32_1 = arith.constant 0 : i32
    return %c0_i32, %c0_i32_0 : i32, i32
  }
  func.func @transform_10(%arg0: i32) -> i32 {
    %c0_i32 = arith.constant 0 : i32
    return %arg0 : i32
  }
  func.func @transform_11(%arg0: i32) -> i32 {
    %c0_i32 = arith.constant 0 : i32
    return %arg0 : i32
  }
  func.func @transform_12(%arg0: i32) -> i32 {
    %c0_i32 = arith.constant 0 : i32
    return %arg0 : i32
  }
}

module attributes {stable_mosaic.version = 14 : i64} {
  func.func @_final_body(%arg0: memref<32x10240xf32, #tpu.memory_space<vmem>>, %arg1: memref<10240xf32, #tpu.memory_space<vmem>>, %arg2: memref<10240xf32, #tpu.memory_space<vmem>>, %arg3: memref<1x1xf32, #tpu.memory_space<vmem>>, %arg4: memref<10000xf32, #tpu.memory_space<vmem>>) attributes {dimension_semantics = [], scalar_prefetch = 0 : i64, scratch_operands = 0 : i64, tpu.core_type = #tpu.core_type<tc>} {
    %get3A = arith.constant 0 : index
    %get3A_0 = arith.constant 0 : index
    %get3A_1 = vector.load %arg0[%get3A, %get3A_0] : memref<32x10240xf32, #tpu.memory_space<vmem>>, vector<32x10240xf32>
    %reduce_sum3A = arith.constant dense<0.000000e+00> : vector<10240xf32>
    %reduce_sum3A_2 = vector.multi_reduction <add>, %get3A_1, %reduce_sum3A [0] : vector<32x10240xf32> to vector<10240xf32>
    %get3A_3 = arith.constant 0 : index
    %get3A_4 = vector.load %arg1[%get3A_3] : memref<10240xf32, #tpu.memory_space<vmem>>, vector<10240xf32>
    %mul3A = arith.mulf %get3A_4, %reduce_sum3A_2 : vector<10240xf32>
    %get3A_5 = arith.constant 0 : index
    %get3A_6 = vector.load %arg2[%get3A_5] : memref<10240xf32, #tpu.memory_space<vmem>>, vector<10240xf32>
    %add3A = arith.addf %mul3A, %get3A_6 : vector<10240xf32>
    %get3A_7 = arith.constant 0 : index
    %get3A_8 = arith.constant 0 : index
    %get3A_9 = vector.load %arg3[%get3A_7, %get3A_8] : memref<1x1xf32, #tpu.memory_space<vmem>>, vector<1x1xf32>
    %squeeze3A = vector.extract %get3A_9[0, 0] : f32 from vector<1x1xf32>
    %add3A_10 = vector.broadcast %squeeze3A : f32 to vector<10240xf32>
    %add3A_11 = arith.addf %add3A, %add3A_10 : vector<10240xf32>
    %logistic3A = arith.negf %add3A_11 : vector<10240xf32>
    %logistic3A_12 = math.exp %logistic3A : vector<10240xf32>
    %logistic3A_13 = arith.constant 1.000000e+00 : f32
    %logistic3A_14 = vector.broadcast %logistic3A_13 : f32 to vector<10240xf32>
    %logistic3A_15 = arith.addf %logistic3A_14, %logistic3A_12 : vector<10240xf32>
    %logistic3A_16 = arith.divf %logistic3A_14, %logistic3A_15 : vector<10240xf32>
    %slice3A = vector.extract_strided_slice %logistic3A_16 {offsets = [0], sizes = [10000], strides = [1]} : vector<10240xf32> to vector<10000xf32>
    %swap3A = arith.constant 0 : index
    %swap3A_17 = vector.load %arg4[%swap3A] : memref<10000xf32, #tpu.memory_space<vmem>>, vector<10000xf32>
    tpu.vector_store %arg4[%swap3A], %slice3A {strides = array<i32>} : memref<10000xf32, #tpu.memory_space<vmem>>, vector<10000xf32>,
    return
  }
}

</mosaic_0001>

<sc_bundles>
// kernel: kernel.10.cloned.1.call-start
scs
__scs_entry_jumppad:
0x0: {  	(pc) =	sbr.rel $0x88, $3  }
0x1: {  	(tag) =	ssettag $0x0;
	lr =	simm.s32 $0x1  }
0x2: {  	[smem:$0x3F95] =	sst lr;
	_ =	strace $0xD0000000  }
0x3: {  	_ = 	snop  }
0x4: {  	_ = 	snop  }
0x5: {  	_ = 	snop  }
0x6: {  	_ = 	snop  }
0x7: {  	_ = 	snop  }
__scs_overlays_trampoline_lowered:
0x8: {  	[smem:$0x3FA4] =	sst s0  }
0x9: {  	[smem:$0x3FA5] =	sst s1  }
0xa: {  	[smem:$0x3FA6] =	sst s2  }
0xb: {  	[smem:$0x3FA7] =	sst s3  }
0xc: {  	[smem:$0x3FA8] =	sst s4  }
0xd: {  	[smem:$0x3FA9] =	sst s5  }
0xe: {  	[smem:$0x3FAA] =	sst s6  }
0xf: {  	[smem:$0x3FAB] =	sst s7  }
0x10: {  	[smem:$0x3FAC] =	sst s8  }
0x11: {  	[smem:$0x3FAD] =	sst s9;
	s0 =	simm.s32 @!p0 $0x0  }
0x12: {  	s1 =	sld [smem:$0x3F93];
	s0 =	simm.s32 @p0 $0x1  }
0x13: {  	[smem:$0x3FAE] =	sst s0;
	s0 =	simm.s32 @!p1 $0x0  }
0x14: {  	s2 =	sld [smem:$0x3F92];
	s0 =	simm.s32 @p1 $0x1  }
0x15: {  	[smem:$0x3FAF] =	sst s0;
	s0 =	simm.s32 @!p2 $0x0  }
0x16: {  	s3 =	sld [smem:$0x3FDB];
	s0 =	simm.s32 @p2 $0x1  }
0x17: {  	s4 =	simm.s32 $0x1BF5;
	[smem:$0x3FB1] =	sst s0  }
0x18: {  	s0 =	sld [smem:$0x3F94];
	_ =	swait.ge [sflag:s4], $0x0  }
0x19: {  	s7 =	sld [smem:$0x3F95]  }
0x1a: {  	s8 =	sadd.s32 $0xFFFFE003, lr  }
0x1b: {  	s9 =	sadd.s32 $0xFFFFFEF7, lr;
	s5 =	simm.s32 $0xFFFFFFFF;
	p2 =	slt.u32 s8, $0xFFFFF086  }
0x1c: {  	p1 =	slt.u32 s9, $0xF7A;
	s5 =	simm.s32 @!p2 $0x0  }
0x1d: {  	s5 =	simm.s32 @p1 $0x1;
	p0 =	seq.s32 s7, s2  }
0x1e: {  	s7 =	smul.u32 @!p0 $0xF7A, s2;
	p2 =	seq.s32 @!p0 s5, $0x0  }
0x1f: {  	s9 =	smul.u32 $0xF7A, s1;
	s8 =	simm.s32 @!p0 $0x1BF5;
	p2 =	por !p2, p0  }
0x20: {  	[sflag:s8] =	ssyncset.s32 @!p0 $0xFFFFF086;
	s6 =	sadd.s32 @!p0 s3, s7;
	s7 =	simm.s32 @!p0 $0x108  }
0x21: {  	s3 =	sadd.s32 s3, s9;
	s6 =	sadd.s32 @!p0 $0x88, s6;
	s7 =	simm.s32 @p2 $0x1082  }
0x22: {  	[simem:s7], [sflag:s8] =	dma.local @!p0 [hbm:s6], $0xF7A  }
0x23: {  	s9 =	sor.u32 $0xD0000000, s2;
	s6 =	simm.s32 $0x108;
	_ =	swait.ge @!p0 [sflag:s8], $0x0  }
0x24: {  	s3 =	sadd.s32 $0x88, s3;
	s6 =	simm.s32 @!p1 $0x1082;
	[sflag:s4] =	ssyncset.s32 $0xFFFFF086  }
0x25: {  	[simem:s6], [sflag:s4] =	dma.local [hbm:s3], $0xF7A  }
0x26: {  	[smem:$0x3F95] =	sst s1;
	(tag) =	ssettag s2;
	_ =	strace s9  }
0x27: {  	s1 =	sld [smem:$0x3FA5]  }
0x28: {  	s2 =	sld [smem:$0x3FA6]  }
0x29: {  	s4 =	sld [smem:$0x3FA8]  }
0x2a: {  	p0 =	seq.s32 s5, $0x0;
	s5 =	sld [smem:$0x3FA9]  }
0x2b: {  	s6 =	sld [smem:$0x3FAA]  }
0x2c: {  	s7 =	sld [smem:$0x3FAB]  }
0x2d: {  	s3 =	simm.s32 $0x108;
	s8 =	sld [smem:$0x3FAC]  }
0x2e: {  	s3 =	simm.s32 @!p0 $0x1082;
	s9 =	sld [smem:$0x3FAD]  }
0x2f: {  	lr =	sadd.s32 s0, s3;
	s0 =	sld [smem:$0x3FA4]  }
0x30: {  	s3 =	sld [smem:$0x3FA7]  }
0x31: {  	[smem:$0x3FB0] =	sst s10  }
0x32: {  	s10 =	sld [smem:$0x3FAE];
	_ =	sdelay $0x3  }
0x33: {  	p0 =	seq.s32 s10, $0x1;
	s10 =	sld [smem:$0x3FB0];
	_ =	sdelay $0x3  }
0x34: {  	[smem:$0x3FB0] =	sst s10  }
0x35: {  	s10 =	sld [smem:$0x3FAF];
	_ =	sdelay $0x3  }
0x36: {  	p1 =	seq.s32 s10, $0x1;
	s10 =	sld [smem:$0x3FB0];
	_ =	sdelay $0x3  }
0x37: {  	[smem:$0x3FB0] =	sst s10  }
0x38: {  	s10 =	sld [smem:$0x3FB1]  }
0x39: {  	_ = 	snop;
	(pc) =	sbr.ind lr, $3  }
0x3a: {  	_ = 	snop  }
0x3b: {  	_ = 	snop  }
0x3c: {  	p2 =	seq.s32 s10, $0x1;
	s10 =	sld [smem:$0x3FB0]  }
0x3d: {  	_ =	shalt  }
0x3e: {  	_ =	shalt  }
0x3f: {  	_ =	shalt  }
0x40: {  	_ =	shalt  }
0x41: {  	_ =	shalt  }
0x42: {  	_ =	shalt  }
0x43: {  	_ =	shalt  }
0x44: {  	_ =	shalt  }
0x45: {  	_ =	shalt  }
0x46: {  	_ =	shalt  }
0x47: {  	_ =	shalt  }
0x48: {  	_ =	shalt  }
0x49: {  	_ =	shalt  }
0x4a: {  	_ =	shalt  }
0x4b: {  	_ =	shalt  }
0x4c: {  	_ =	shalt  }
0x4d: {  	_ =	shalt  }
0x4e: {  	_ =	shalt  }
0x4f: {  	_ =	shalt  }
0x50: {  	_ =	shalt  }
0x51: {  	_ =	shalt  }
0x52: {  	_ =	shalt  }
0x53: {  	_ =	shalt  }
0x54: {  	_ =	shalt  }
0x55: {  	_ =	shalt  }
0x56: {  	_ =	shalt  }
0x57: {  	_ =	shalt  }
0x58: {  	_ =	shalt  }
0x59: {  	_ =	shalt  }
0x5a: {  	_ =	shalt  }
0x5b: {  	_ =	shalt  }
0x5c: {  	_ =	shalt  }
0x5d: {  	_ =	shalt  }
0x5e: {  	_ =	shalt  }
0x5f: {  	_ =	shalt  }
0x60: {  	_ =	shalt  }
0x61: {  	_ =	shalt  }
0x62: {  	_ =	shalt  }
0x63: {  	_ =	shalt  }
0x64: {  	_ =	shalt  }
0x65: {  	_ =	shalt  }
0x66: {  	_ =	shalt  }
0x67: {  	_ =	shalt  }
0x68: {  	_ =	shalt  }
0x69: {  	_ =	shalt  }
0x6a: {  	_ =	shalt  }
0x6b: {  	_ =	shalt  }
0x6c: {  	_ =	shalt  }
0x6d: {  	_ =	shalt  }
0x6e: {  	_ =	shalt  }
0x6f: {  	_ =	shalt  }
0x70: {  	_ =	shalt  }
0x71: {  	_ =	shalt  }
0x72: {  	_ =	shalt  }
0x73: {  	_ =	shalt  }
0x74: {  	_ =	shalt  }
0x75: {  	_ =	shalt  }
0x76: {  	_ =	shalt  }
0x77: {  	_ =	shalt  }
0x78: {  	_ =	shalt  }
0x79: {  	_ =	shalt  }
0x7a: {  	_ =	shalt  }
0x7b: {  	_ =	shalt  }
0x7c: {  	_ =	shalt  }
0x7d: {  	_ =	shalt  }
0x7e: {  	_ =	shalt  }
0x7f: {  	_ =	shalt  }
0x80: {  	_ =	shalt  }
0x81: {  	_ =	shalt  }
0x82: {  	_ =	shalt  }
0x83: {  	_ =	shalt  }
0x84: {  	_ =	shalt  }
0x85: {  	_ =	shalt  }
0x86: {  	_ =	shalt  }
0x87: {  	_ =	shalt  }
.Lfunc_end0:
.L_simem_size_0:
called_computation.1_lowered:
.L_overlay_start_0:
0x88: {  	s2 =	sld [smem:$0x3FD9]  }
0x89: {  	s3 =	sld [smem:$0x3FFE];
	_ =	sdelay $0x1  }
0x8a: {  	s1 =	srdreg.scid  }
0x8b: {  	s0 =	sand.u32 $0x1, s1  }
0x8c: {  	s17 =	sshll.u32 s0, $0xA;
	s2 =	sadd.s32 s3, s2  }
0x8d: {  	s2 =	sadd.s32 s2, s17  }
0x8e: {  	[smem:$0x3FBC] =	sst s2  }
0x8f: {  	_ = 	snop  }
0x90: {  	s2 =	sld [smem:$0x3FC7];
	(tm) =	ssettm $0x1  }
0x91: {  	s18 =	sld [smem:$0x3FFB];
	_ =	sdelay $0x3  }
0x92: {  	_ =	strace s18  }
0x93: {  	s3 =	sld [smem:$0x3FFC];
	_ =	sdelay $0x3  }
0x94: {  	_ =	strace s3  }
0x95: {  	s3 =	sld [smem:$0x3FFD];
	_ =	sdelay $0x3  }
0x96: {  	_ =	strace s3  }
0x97: {  	_ =	strace $0x8FFFFFFF  }
0x98: {  	s19 =	sld [smem:$0x3FDB];
	_ =	sdelay $0x1  }
0x99: {  	s4 =	simm.s32 $_scs_section_size  }
0x9a: {  	s5 =	simm.s32 $_size__tile_overlayer_lowered;
	s6 =	simm.s32 $_tile_overlayer_lowered  }
0x9b: {  	s22 =	simm.s32 $0x1BFF;
	s21 =	sshll.u32 s6, $0x1;
	s3 =	sadd.s32 s4, s19  }
0x9c: {  	s7 =	simm.s32 $0x0;
	s20 =	sshll.u32 s5, $0x1;
	s5 =	sadd.s32 s21, s3  }
0x9d: {  	[timem:s7], [sflag:s22] =	dma.local [hbm:s5], s20  }
0x9e: {  	_ =	swait.ge [sflag:s22], s20  }
0x9f: {  	s4 =	ssub.s32 $0x0, s20;
	[sflag:s22] =	ssyncset.done $0x0  }
0xa0: {  	[sflag:s22] =	ssyncadd.s32 s4;
	_ =	sdelay $0x1  }
0xa1: {  	s23 =	simm.s32 $0x1B8B  }
0xa2: {  	_ =	swait.ge [sflag:s23], $0x1  }
0xa3: {  	[sflag:s23] =	ssyncset.done $0x0  }
0xa4: {  	s25 =	simm.s32 $0x1B8E;
	s24 =	sld [smem:$0x3FFE];
	[sflag:s23] =	ssyncadd.s32 $0xFFFFFFFF  }
0xa5: {  	s26 =	simm.s32 $execute0_lowered;
	[smem:$0x3FD2] =	sst s25  }
0xa6: {  	s5 =	sshll.u32 s26, $0x1;
	_ =	strace $0x80000049;
	[dreg:$0x1] =	wrdreg $0xFFFFFFFF  }
0xa7: {  	s28 =	simm.s32 $_size_execute0_lowered;
	s3 =	sadd.s32 s3, s5;
	[dreg:$0x0] =	wrdreg $0x0  }
0xa8: {  	s5 =	sshll.u32 s28, $0x1;
	[dreg:$0x2] =	wrdreg s3  }
0xa9: {  	[dreg:$0x3] =	wrdreg s5  }
0xaa: {  	[dreg:$0x4] =	wrdreg $0xC0  }
0xab: {  	_ =	task [dreg:s7], $0x5FFFF  }
0xac: {  	[dreg:$0x1] =	wrdreg $0xFFFFFFFF  }
0xad: {  	[dreg:$0x0] =	wrdreg $0x60  }
0xae: {  	[dreg:$0x2] =	wrdreg s24  }
0xaf: {  	[dreg:$0x3] =	wrdreg s2  }
0xb0: {  	[dreg:$0x4] =	wrdreg $0x9  }
0xb1: {  	_ =	task.clear_ibuf [dreg:s7], $0x5FFFF;
	_ =	strace $0x90000049  }
0xb2: {  	s29 =	simm.s32 $0x9;
	_ =	strace $0x8000004B  }
0xb3: {  	_ =	swait.ge [sflag:s29], $0x1  }
0xb4: {  	[sflag:s29] =	ssyncadd.s32 $0xFFFFFFFF  }
0xb5: {  	_ =	strace $0x9000004B  }
0xb6: {  	_ =	sfence  }
0xb7: {  	s30 =	sld [smem:$0x0];
	_ =	sdelay $0x2  }
0xb8: {  	s31 =	sshll.u32 s1, $0xD;
	s1 =	sshrl.u32 s1, $0x2  }
0xb9: {  	s3 =	sand.u32 $0x4000, s31;
	s1 =	sadd.s32 s1, s30  }
0xba: {  	s0 =	sor.u32 s3, s0;
	s1 =	sshll.u32 s1, $0x11  }
0xbb: {  	s0 =	sor.u32 s1, s0  }
0xbc: {  	s0 =	sadd.s32 $0x8F2B, s0  }
0xbd: {  	[sflag:s0] =	ssyncadd.remote.s32 $0x1  }
0xbe: {  	_ =	sfence.sel $0xFFFF  }
0xbf: {  	[dreg:$0x0] =	wrdreg $0xFFFFFFFF;
	(pc) =	sbr.abs _section_cstart, $3  }
0xc0: {  	[dreg:$0x1] =	wrdreg $0xFFFFFFFF  }
0xc1: {  	_ =	task.clear_ibuf [dreg:s7], $0x2FFFF;
	_ =	strace $0x9FFFFFFF  }
0xc2: {  	(tm) =	ssettm $0x7FFFFFFF  }
0xc3: {  	_ =	shalt  }
tec
execute0_lowered:
.L_overlay_start_1:
0x0: {  	(tag) =	ssettag $0x1  }
0x1: {  	s0 =	srdreg.scid;
	s4 =	rddreg [dreg:$0x0]  }
0x2: {  	s6 =	rddreg [dreg:$0x1];
	s1 =	stileid.u32  }
0x3: {  	s12 =	simm.s32 $0x1;
	s13 =	simm.s32 $0x2;
	s14 =	simm.s32 $0x2800  }
0x4: {  	s15 =	simm.s32 $0x80;
	s16 =	simm.s32 $0x400;
	s3 =	sand.u32 $0x1, s0  }
0x5: {  	s17 =	simm.s32 $0x3;
	s18 =	simm.s32 $0x0;
	s2 =	sshll.u32 s3, $0x4  }
0x6: {  	s0 =	rddreg [dreg:$0x2];
	s8 =	sshll.u32 s1, $0x7;
	s5 =	sor.u32 s1, s2  }
0x7: {  	s8 =	sand.u32 $0x380, s8;
	s7 =	smul.u32 $0x1388, s5;
	s5 =	sshrl.u32 s5, $0x3  }
0x8: {  	s31 =	ssub.s32 $0x2, s3;
	s2 =	simm.s32 $0x0;
	s5 =	smul.u32 $0x14000, s5  }
0x9: {  	s3 =	sadd.s32 $0xD400, s4;
	s10 =	sshrl.u32 s31, $0x1;
	[smem:$0x7FF] =	sst s2  }
0xa: {  	_ =	strace $0x8000004A;
	s7 =	sshrl.u32 s7, $0x3;
	s5 =	sor.u32 s8, s5  }
0xb: {  	s9 =	sadd.s32 s7, s4;
	s8 =	ssub.s32 s31, s10;
	s6 =	sadd.s32 s6, s7  }
0xc: {  	s10 =	simm.s32 $0x6400;
	s5 =	sshrl.u32 s5, $0x3;
	s8 =	smax.u32 s8, $0x1  }
0xd: {  	s11 =	sadd.s32 s5, s4;
	s4 =	sadd.s32 $0x3600, s9;
	s5 =	sadd.s32 $0x8420, s9  }
0xe: {  	v0 =	vimm.f32 $0.0e+00;
	s9 =	simm.s32 $0x5000;
	s7 =	sadd.s32 $0xDA00, s11;
	s11 =	simm.s32 $0x7800  }
.LBB2_1:
0xf: {  	[tilespmem:s9], [sflag:$0x2] =	stream.linear.gather [hbm4b:s4+s2], $0x1388, $0x38;
	[tilespmem:$0x8C00] =	vst v63  }
0x10: {  	_ = 	snop  }
0x11: {  	[tilespmem:s10], [sflag:$0x2] =	stream.linear.gather [hbm4b:s5+s2], $0x1388, $0x38;
	[tilespmem:$0x8C00] =	vst v63  }
0x12: {  	_ = 	snop  }
0x13: {  	[tilespmem:s11], [sflag:$0x2] =	stream.linear.gather [hbm4b:s6+s2], $0x1388, $0x38;
	[tilespmem:$0x8C00] =	vst v63  }
0x14: {  	s19 =	simm.s32 $0x2840  }
0x15: {  	[tilespmem:s2], [sflag:$0x1] =	stream.linear.gather [hbm4b:s3+s2], $0x2800, $0x38;
	[tilespmem:$0x8C00] =	vst v63  }
0x16: {  	[tilespmem:s19+$0xFFFFFFC0] =	vst v0  }
0x17: {  	[tilespmem:s19+$0x30] =	vst v0  }
0x18: {  	[tilespmem:s19+$0x20] =	vst v0  }
0x19: {  	[tilespmem:s19+$0x10] =	vst v0  }
0x1a: {  	[tilespmem:s19+$0x0] =	vst v0  }
0x1b: {  	[tilespmem:s19+$0xFFFFFFF0] =	vst v0  }
0x1c: {  	s20 =	simm.s32 $0x0;
	[tilespmem:s19+$0xFFFFFFE0] =	vst v0  }
.LBB2_2:
0x1d: {  	s20 =	sadd.s32 $0x8, s20;
	[tilespmem:s19+$0xFFFFFFD0] =	vst v0;
	s19 =	sadd.s32 $0x80, s19  }
0x1e: {  	[tilespmem:s19+$0xFFFFFFC0] =	vst v0;
	p0 =	slt.u32 s20, $0x278  }
0x1f: {  	[tilespmem:s19+$0x30] =	vst v0  }
.Ltmp0:
0x20: {  	[tilespmem:s19+$0x20] =	vst v0;
	(pc) =	sbr.rel @p0 .LBB2_2-.Ltmp0, $4  }
0x21: {  	[tilespmem:s19+$0x10] =	vst v0  }
0x22: {  	[tilespmem:s19+$0x0] =	vst v0  }
0x23: {  	[tilespmem:s19+$0xFFFFFFF0] =	vst v0  }
0x24: {  	[tilespmem:s19+$0xFFFFFFE0] =	vst v0  }
0x25: {  	[tilespmem:s19+$0xFFFFFFD0] =	vst v0  }
0x26: {  	_ =	swait.ge [sflag:s12], $0x2800  }
0x27: {  	[sflag:s12] =	ssyncset.done $0x0  }
0x28: {  	[sflag:s12] =	ssyncadd.s32 $0xFFFFD800  }
0x29: {  	_ =	swait.ge [sflag:s13], $0x1388  }
0x2a: {  	[sflag:s13] =	ssyncset.done $0x0  }
0x2b: {  	[sflag:s13] =	ssyncadd.s32 $0xFFFFEC78  }
0x2c: {  	_ =	swait.ge [sflag:s13], $0x1388  }
0x2d: {  	[sflag:s13] =	ssyncset.done $0x0  }
0x2e: {  	[sflag:s13] =	ssyncadd.s32 $0xFFFFEC78  }
0x2f: {  	_ =	swait.ge [sflag:s13], $0x1388  }
0x30: {  	[sflag:s13] =	ssyncset.done $0x0  }
0x31: {  	s21 =	simm.s32 $0x5040;
	[sflag:s13] =	ssyncadd.s32 $0xFFFFEC78  }
0x32: {  	v1 =	vld [tilespmem:s21+$0x30]  }
0x33: {  	v2 =	vld [tilespmem:s21+$0xFFFFFFD0]  }
0x34: {  	v3 =	vld [tilespmem:s21+$0xFFFFFFE0]  }
0x35: {  	v4 =	vld [tilespmem:s21+$0xFFFFFFF0]  }
0x36: {  	v5 =	vld [tilespmem:s21+$0x0]  }
0x37: {  	s19 =	simm.s32 $0x6440;
	v6 =	vld [tilespmem:s21+$0x10]  }
0x38: {  	s20 =	simm.s32 $0x7840;
	v7 =	vld [tilespmem:s19+$0x30]  }
0x39: {  	v8 =	vld [tilespmem:s20+$0x30]  }
0x3a: {  	v9 =	vld [tilespmem:s21+$0xFFFFFFC0]  }
0x3b: {  	v10 =	vld [tilespmem:s21+$0x20]  }
0x3c: {  	v57 =	vld [tilespmem:s19+$0xFFFFFFC0]  }
0x3d: {  	v58 =	vld [tilespmem:s20+$0xFFFFFFC0]  }
0x3e: {  	v59 =	vld [tilespmem:s20+$0xFFFFFFD0]  }
0x3f: {  	v11 =	vld [tilespmem:s20+$0xFFFFFFE0]  }
0x40: {  	v1 =	vld.idx.msk [tilespmem:v1+s2+$0x0], $0xffff  }
0x41: {  	v12 =	vld [tilespmem:s19+$0xFFFFFFD0]  }
0x42: {  	v13 =	vld [tilespmem:s20+$0xFFFFFFF0]  }
0x43: {  	v14 =	vld [tilespmem:s20+$0x0]  }
0x44: {  	v60 =	vld [tilespmem:s19+$0xFFFFFFE0]  }
0x45: {  	v61 =	vld [tilespmem:s19+$0x0];
	v1 =	vmul.f32 v1, v8  }
0x46: {  	v62 =	vld [tilespmem:s19+$0x10]  }
0x47: {  	[tilespmem:v7+s14+$0x0] =	vst.idx.add.f32.msk $0xffff, v1  }
0x48: {  	v1 =	vld.idx.msk [tilespmem:v9+s2+$0x0], $0xffff  }
0x49: {  	v63 =	vld [tilespmem:s20+$0x10]  }
0x4a: {  	v15 =	vld [tilespmem:s20+$0x20]  }
0x4b: {  	v2 =	vld.idx.msk [tilespmem:v2+s2+$0x0], $0xffff  }
0x4c: {  	v3 =	vld.idx.msk [tilespmem:v3+s2+$0x0], $0xffff  }
0x4d: {  	v5 =	vld.idx.msk [tilespmem:v5+s2+$0x0], $0xffff;
	v1 =	vmul.f32 v1, v58  }
0x4e: {  	v6 =	vld.idx.msk [tilespmem:v6+s2+$0x0], $0xffff  }
0x4f: {  	[tilespmem:v57+s14+$0x0] =	vst.idx.add.f32.msk $0xffff, v1  }
0x50: {  	v1 =	vld [tilespmem:s19+$0xFFFFFFF0]  }
0x51: {  	v4 =	vld.idx.msk [tilespmem:v4+s2+$0x0], $0xffff;
	v2 =	vmul.f32 v2, v59  }
0x52: {  	v10 =	vld.idx.msk [tilespmem:v10+s2+$0x0], $0xffff  }
0x53: {  	v3 =	vmul.f32 v3, v11;
	[tilespmem:v12+s14+$0x0] =	vst.idx.add.f32.msk $0xffff, v2  }
0x54: {  	v5 =	vmul.f32 v5, v14;
	v2 =	vld [tilespmem:s19+$0x20]  }
0x55: {  	[tilespmem:v60+s14+$0x0] =	vst.idx.add.f32.msk $0xffff, v3;
	v3 =	vmul.f32 v6, v63  }
0x56: {  	v4 =	vmul.f32 v4, v13;
	[tilespmem:v61+s14+$0x0] =	vst.idx.add.f32.msk $0xffff, v5  }
0x57: {  	[tilespmem:v62+s14+$0x0] =	vst.idx.add.f32.msk $0xffff, v3  }
0x58: {  	s22 =	simm.s32 $0x50C0;
	s21 =	simm.s32 $0x0;
	[tilespmem:v1+s14+$0x0] =	vst.idx.add.f32.msk $0xffff, v4;
	v1 =	vmul.f32 v10, v15  }
.LBB2_4:
0x59: {  	v3 =	vld [tilespmem:s22+$0x30];
	s21 =	sadd.s32 $0x8, s21  }
0x5a: {  	v4 =	vld [tilespmem:s22+$0xFFFFFFD0];
	p0 =	slt.u32 s21, $0x130  }
0x5b: {  	v5 =	vld [tilespmem:s22+$0xFFFFFFE0]  }
0x5c: {  	v6 =	vld [tilespmem:s22+$0xFFFFFFF0]  }
0x5d: {  	v7 =	vld [tilespmem:s22+$0x0]  }
0x5e: {  	v8 =	vld [tilespmem:s22+$0x10]  }
0x5f: {  	s19 =	sadd.s32 $0x80, s19;
	v9 =	vld [tilespmem:s22+$0x20]  }
0x60: {  	v10 =	vld [tilespmem:s19+$0x30]  }
0x61: {  	s20 =	sadd.s32 $0x80, s20;
	v3 =	vld.idx.msk [tilespmem:v3+s2+$0x0], $0xffff  }
0x62: {  	v11 =	vld [tilespmem:s20+$0x30]  }
0x63: {  	v12 =	vld [tilespmem:s22+$0xFFFFFFC0]  }
0x64: {  	v4 =	vld.idx.msk [tilespmem:v4+s2+$0x0], $0xffff  }
0x65: {  	v5 =	vld.idx.msk [tilespmem:v5+s2+$0x0], $0xffff  }
0x66: {  	v6 =	vld.idx.msk [tilespmem:v6+s2+$0x0], $0xffff  }
0x67: {  	v7 =	vld.idx.msk [tilespmem:v7+s2+$0x0], $0xffff;
	v3 =	vmul.f32 v3, v11  }
0x68: {  	v8 =	vld.idx.msk [tilespmem:v8+s2+$0x0], $0xffff  }
0x69: {  	[tilespmem:v10+s14+$0x0] =	vst.idx.add.f32.msk $0xffff, v3  }
0x6a: {  	v3 =	vld.idx.msk [tilespmem:v9+s2+$0x0], $0xffff  }
0x6b: {  	v9 =	vld.idx.msk [tilespmem:v12+s2+$0x0], $0xffff  }
0x6c: {  	v10 =	vld [tilespmem:s20+$0xFFFFFFC0]  }
0x6d: {  	v11 =	vld [tilespmem:s20+$0xFFFFFFD0]  }
0x6e: {  	v12 =	vld [tilespmem:s20+$0xFFFFFFE0]  }
0x6f: {  	v13 =	vld [tilespmem:s20+$0xFFFFFFF0]  }
0x70: {  	v14 =	vld [tilespmem:s20+$0x0]  }
0x71: {  	v9 =	vmul.f32 v9, v10;
	v10 =	vld [tilespmem:s20+$0x10]  }
0x72: {  	v4 =	vmul.f32 v4, v11;
	v11 =	vld [tilespmem:s20+$0x20]  }
0x73: {  	v15 =	vld [tilespmem:s19+$0xFFFFFFC0];
	v5 =	vmul.f32 v5, v12  }
0x74: {  	v12 =	vld [tilespmem:s19+$0xFFFFFFD0];
	v6 =	vmul.f32 v6, v13  }
0x75: {  	v13 =	vld [tilespmem:s19+$0xFFFFFFE0];
	v7 =	vmul.f32 v7, v14  }
0x76: {  	v14 =	vld [tilespmem:s19+$0xFFFFFFF0];
	v8 =	vmul.f32 v8, v10  }
0x77: {  	v10 =	vld [tilespmem:s19+$0x0];
	v3 =	vmul.f32 v3, v11  }
0x78: {  	v11 =	vld [tilespmem:s19+$0x10]  }
0x79: {  	v16 =	vld [tilespmem:s19+$0x20]  }
0x7a: {  	[tilespmem:v2+s14+$0x0] =	vst.idx.add.f32.msk $0xffff, v1;
	v1 =	vmov v3  }
0x7b: {  	[tilespmem:v15+s14+$0x0] =	vst.idx.add.f32.msk $0xffff, v9  }
.Ltmp1:
0x7c: {  	[tilespmem:v12+s14+$0x0] =	vst.idx.add.f32.msk $0xffff, v4;
	(pc) =	sbr.rel @p0 .LBB2_4-.Ltmp1, $4  }
0x7d: {  	[tilespmem:v13+s14+$0x0] =	vst.idx.add.f32.msk $0xffff, v5  }
0x7e: {  	[tilespmem:v14+s14+$0x0] =	vst.idx.add.f32.msk $0xffff, v6;
	v2 =	vmov v16  }
0x7f: {  	[tilespmem:v10+s14+$0x0] =	vst.idx.add.f32.msk $0xffff, v7  }
0x80: {  	s22 =	sadd.s32 $0x80, s22;
	[tilespmem:v11+s14+$0x0] =	vst.idx.add.f32.msk $0xffff, v8  }
0x81: {  	_ =	sdelay $0x3  }
0x82: {  	[tilespmem:v2+s14+$0x0] =	vst.idx.add.f32.msk $0xffff, v1  }
0x83: {  	v1 =	vld [tilespmem:$0x6380];
	_ =	sdelay $0x5  }
0x84: {  	v2 =	vld [tilespmem:$0x7780]  }
0x85: {  	v3 =	vld [tilespmem:$0x8B80]  }
0x86: {  	v1 =	vld.idx.msk [tilespmem:v1+s2+$0x0], $0xff;
	_ =	sdelay $0x4  }
0x87: {  	s18 =	sadd.s32 $0x1, s18;
	v1 =	vmul.f32 v1, v3  }
0x88: {  	p0 =	sne.s32 s18, s8  }
.Ltmp2:
0x89: {  	[tilespmem:v2+s14+$0x0] =	vst.idx.add.f32.msk $0xff, v1;
	(pc) =	sbr.rel @p0 .LBB2_1-.Ltmp2, $4  }
0x8a: {  	[hbm4b:s7+s15] =	stream.strided.scatter [tilespmem:s14], [sflag:$0x3], $0x2800, s16, s15, $0x38;
	[tilespmem:$0x8C00] =	vst v63  }
0x8b: {  	_ =	swait.ge [sflag:s17], $0x2800  }
0x8c: {  	[sflag:s17] =	ssyncset.done $0x0  }
0x8d: {  	[sflag:s17] =	ssyncadd.s32 $0xFFFFD800  }
0x8e: {  	_ =	sfence.sel $0x180000  }
0x8f: {  	[bflag:$0x0] =	sbarrier.arrive $0xFFFF  }
0x90: {  	p0 =	sne.s32 s1, $0x0;
	_ =	strace $0x9000004A  }
0x91: {  	s0 =	sadd.s32 @!p0 $0x100000, s0;
	[bflag:$0x2] =	sbarrier.arrive $0xFFFF  }
0x92: {  	[sflag:s0] =	ssyncadd.tile.s32 @!p0 $0x1;
	_ =	shalt  }
.Lfunc_end2:
_tile_overlayer_lowered:
.L_overlay_start_2:
0x93: {  	(tag) =	ssettag $0x2  }
0x94: {  	s0 =	rddreg [dreg:$0x0];
	s2 =	stileid.u32  }
0x95: {  	s1 =	rddreg [dreg:$0x1];
	p0 =	sne.s32 s2, $0x0  }
0x96: {  	s3 =	rddreg [dreg:$0x2];
	[bflag:$0x3] =	sbarrier.arrive $0xFFFF;
	s2 =	simm.s32 @!p0 $0x1C03  }
0x97: {  	[timem:s3], [sflag:s2] =	dma.local @!p0 [hbm:s0], s1  }
0x98: {  	s0 =	simm.s32 @!p0 $0x3  }
0x99: {  	_ =	swait.ge @!p0 [sflag:s0], s1  }
0x9a: {  	s1 =	ssub.s32 @!p0 $0x0, s1;
	[sflag:s0] =	ssyncset.done @!p0 $0x0  }
0x9b: {  	[sflag:s0] =	ssyncadd.s32 @!p0 s1  }
0x9c: {  	[bflag:$0x3] =	sbarrier.arrive $0xFFFF  }
0x9d: {  	_ =	shalt  }

// kernel: kernel.7.cloned.1.call-start
scs
__scs_entry_jumppad:
0x0: {  	(pc) =	sbr.rel $0x88, $3  }
0x1: {  	(tag) =	ssettag $0x0;
	lr =	simm.s32 $0x1  }
0x2: {  	[smem:$0x3F95] =	sst lr;
	_ =	strace $0xD0000000  }
0x3: {  	_ = 	snop  }
0x4: {  	_ = 	snop  }
0x5: {  	_ = 	snop  }
0x6: {  	_ = 	snop  }
0x7: {  	_ = 	snop  }
__scs_overlays_trampoline_lowered:
0x8: {  	[smem:$0x3FA4] =	sst s0  }
0x9: {  	[smem:$0x3FA5] =	sst s1  }
0xa: {  	[smem:$0x3FA6] =	sst s2  }
0xb: {  	[smem:$0x3FA7] =	sst s3  }
0xc: {  	[smem:$0x3FA8] =	sst s4  }
0xd: {  	[smem:$0x3FA9] =	sst s5  }
0xe: {  	[smem:$0x3FAA] =	sst s6  }
0xf: {  	[smem:$0x3FAB] =	sst s7  }
0x10: {  	[smem:$0x3FAC] =	sst s8  }
0x11: {  	[smem:$0x3FAD] =	sst s9;
	s0 =	simm.s32 @!p0 $0x0  }
0x12: {  	s1 =	sld [smem:$0x3F93];
	s0 =	simm.s32 @p0 $0x1  }
0x13: {  	[smem:$0x3FAE] =	sst s0;
	s0 =	simm.s32 @!p1 $0x0  }
0x14: {  	s2 =	sld [smem:$0x3F92];
	s0 =	simm.s32 @p1 $0x1  }
0x15: {  	[smem:$0x3FAF] =	sst s0;
	s0 =	simm.s32 @!p2 $0x0  }
0x16: {  	s3 =	sld [smem:$0x3FDB];
	s0 =	simm.s32 @p2 $0x1  }
0x17: {  	s4 =	simm.s32 $0x1BF5;
	[smem:$0x3FB1] =	sst s0  }
0x18: {  	s0 =	sld [smem:$0x3F94];
	_ =	swait.ge [sflag:s4], $0x0  }
0x19: {  	s7 =	sld [smem:$0x3F95]  }
0x1a: {  	s8 =	sadd.s32 $0xFFFFE003, lr  }
0x1b: {  	s9 =	sadd.s32 $0xFFFFFEF7, lr;
	s5 =	simm.s32 $0xFFFFFFFF;
	p2 =	slt.u32 s8, $0xFFFFF086  }
0x1c: {  	p1 =	slt.u32 s9, $0xF7A;
	s5 =	simm.s32 @!p2 $0x0  }
0x1d: {  	s5 =	simm.s32 @p1 $0x1;
	p0 =	seq.s32 s7, s2  }
0x1e: {  	s7 =	smul.u32 @!p0 $0xF7A, s2;
	p2 =	seq.s32 @!p0 s5, $0x0  }
0x1f: {  	s9 =	smul.u32 $0xF7A, s1;
	s8 =	simm.s32 @!p0 $0x1BF5;
	p2 =	por !p2, p0  }
0x20: {  	[sflag:s8] =	ssyncset.s32 @!p0 $0xFFFFF086;
	s6 =	sadd.s32 @!p0 s3, s7;
	s7 =	simm.s32 @!p0 $0x108  }
0x21: {  	s3 =	sadd.s32 s3, s9;
	s6 =	sadd.s32 @!p0 $0x88, s6;
	s7 =	simm.s32 @p2 $0x1082  }
0x22: {  	[simem:s7], [sflag:s8] =	dma.local @!p0 [hbm:s6], $0xF7A  }
0x23: {  	s9 =	sor.u32 $0xD0000000, s2;
	s6 =	simm.s32 $0x108;
	_ =	swait.ge @!p0 [sflag:s8], $0x0  }
0x24: {  	s3 =	sadd.s32 $0x88, s3;
	s6 =	simm.s32 @!p1 $0x1082;
	[sflag:s4] =	ssyncset.s32 $0xFFFFF086  }
0x25: {  	[simem:s6], [sflag:s4] =	dma.local [hbm:s3], $0xF7A  }
0x26: {  	[smem:$0x3F95] =	sst s1;
	(tag) =	ssettag s2;
	_ =	strace s9  }
0x27: {  	s1 =	sld [smem:$0x3FA5]  }
0x28: {  	s2 =	sld [smem:$0x3FA6]  }
0x29: {  	s4 =	sld [smem:$0x3FA8]  }
0x2a: {  	p0 =	seq.s32 s5, $0x0;
	s5 =	sld [smem:$0x3FA9]  }
0x2b: {  	s6 =	sld [smem:$0x3FAA]  }
0x2c: {  	s7 =	sld [smem:$0x3FAB]  }
0x2d: {  	s3 =	simm.s32 $0x108;
	s8 =	sld [smem:$0x3FAC]  }
0x2e: {  	s3 =	simm.s32 @!p0 $0x1082;
	s9 =	sld [smem:$0x3FAD]  }
0x2f: {  	lr =	sadd.s32 s0, s3;
	s0 =	sld [smem:$0x3FA4]  }
0x30: {  	s3 =	sld [smem:$0x3FA7]  }
0x31: {  	[smem:$0x3FB0] =	sst s10  }
0x32: {  	s10 =	sld [smem:$0x3FAE];
	_ =	sdelay $0x3  }
0x33: {  	p0 =	seq.s32 s10, $0x1;
	s10 =	sld [smem:$0x3FB0];
	_ =	sdelay $0x3  }
0x34: {  	[smem:$0x3FB0] =	sst s10  }
0x35: {  	s10 =	sld [smem:$0x3FAF];
	_ =	sdelay $0x3  }
0x36: {  	p1 =	seq.s32 s10, $0x1;
	s10 =	sld [smem:$0x3FB0];
	_ =	sdelay $0x3  }
0x37: {  	[smem:$0x3FB0] =	sst s10  }
0x38: {  	s10 =	sld [smem:$0x3FB1]  }
0x39: {  	_ = 	snop;
	(pc) =	sbr.ind lr, $3  }
0x3a: {  	_ = 	snop  }
0x3b: {  	_ = 	snop  }
0x3c: {  	p2 =	seq.s32 s10, $0x1;
	s10 =	sld [smem:$0x3FB0]  }
0x3d: {  	_ =	shalt  }
0x3e: {  	_ =	shalt  }
0x3f: {  	_ =	shalt  }
0x40: {  	_ =	shalt  }
0x41: {  	_ =	shalt  }
0x42: {  	_ =	shalt  }
0x43: {  	_ =	shalt  }
0x44: {  	_ =	shalt  }
0x45: {  	_ =	shalt  }
0x46: {  	_ =	shalt  }
0x47: {  	_ =	shalt  }
0x48: {  	_ =	shalt  }
0x49: {  	_ =	shalt  }
0x4a: {  	_ =	shalt  }
0x4b: {  	_ =	shalt  }
0x4c: {  	_ =	shalt  }
0x4d: {  	_ =	shalt  }
0x4e: {  	_ =	shalt  }
0x4f: {  	_ =	shalt  }
0x50: {  	_ =	shalt  }
0x51: {  	_ =	shalt  }
0x52: {  	_ =	shalt  }
0x53: {  	_ =	shalt  }
0x54: {  	_ =	shalt  }
0x55: {  	_ =	shalt  }
0x56: {  	_ =	shalt  }
0x57: {  	_ =	shalt  }
0x58: {  	_ =	shalt  }
0x59: {  	_ =	shalt  }
0x5a: {  	_ =	shalt  }
0x5b: {  	_ =	shalt  }
0x5c: {  	_ =	shalt  }
0x5d: {  	_ =	shalt  }
0x5e: {  	_ =	shalt  }
0x5f: {  	_ =	shalt  }
0x60: {  	_ =	shalt  }
0x61: {  	_ =	shalt  }
0x62: {  	_ =	shalt  }
0x63: {  	_ =	shalt  }
0x64: {  	_ =	shalt  }
0x65: {  	_ =	shalt  }
0x66: {  	_ =	shalt  }
0x67: {  	_ =	shalt  }
0x68: {  	_ =	shalt  }
0x69: {  	_ =	shalt  }
0x6a: {  	_ =	shalt  }
0x6b: {  	_ =	shalt  }
0x6c: {  	_ =	shalt  }
0x6d: {  	_ =	shalt  }
0x6e: {  	_ =	shalt  }
0x6f: {  	_ =	shalt  }
0x70: {  	_ =	shalt  }
0x71: {  	_ =	shalt  }
0x72: {  	_ =	shalt  }
0x73: {  	_ =	shalt  }
0x74: {  	_ =	shalt  }
0x75: {  	_ =	shalt  }
0x76: {  	_ =	shalt  }
0x77: {  	_ =	shalt  }
0x78: {  	_ =	shalt  }
0x79: {  	_ =	shalt  }
0x7a: {  	_ =	shalt  }
0x7b: {  	_ =	shalt  }
0x7c: {  	_ =	shalt  }
0x7d: {  	_ =	shalt  }
0x7e: {  	_ =	shalt  }
0x7f: {  	_ =	shalt  }
0x80: {  	_ =	shalt  }
0x81: {  	_ =	shalt  }
0x82: {  	_ =	shalt  }
0x83: {  	_ =	shalt  }
0x84: {  	_ =	shalt  }
0x85: {  	_ =	shalt  }
0x86: {  	_ =	shalt  }
0x87: {  	_ =	shalt  }
.Lfunc_end0:
.L_simem_size_0:
called_computation_lowered:
.L_overlay_start_0:
0x88: {  	s2 =	sld [smem:$0x3FD9]  }
0x89: {  	s3 =	sld [smem:$0x3FFE];
	_ =	sdelay $0x1  }
0x8a: {  	s1 =	srdreg.scid  }
0x8b: {  	s0 =	sand.u32 $0x1, s1  }
0x8c: {  	s17 =	sshll.u32 s0, $0xA;
	s2 =	sadd.s32 s3, s2  }
0x8d: {  	s2 =	sadd.s32 s2, s17  }
0x8e: {  	[smem:$0x3FBC] =	sst s2  }
0x8f: {  	_ = 	snop  }
0x90: {  	s2 =	sld [smem:$0x3FC7]  }
0x91: {  	s18 =	sld [smem:$0x3FD0];
	(tm) =	ssettm $0x1  }
0x92: {  	s4 =	sld [smem:$0x3FFB];
	_ =	sdelay $0x3  }
0x93: {  	_ =	strace s4  }
0x94: {  	s4 =	sld [smem:$0x3FFC];
	_ =	sdelay $0x3  }
0x95: {  	_ =	strace s4  }
0x96: {  	s4 =	sld [smem:$0x3FFD];
	_ =	sdelay $0x3  }
0x97: {  	_ =	strace s4  }
0x98: {  	_ =	strace $0x8FFFFFFF  }
0x99: {  	s19 =	sld [smem:$0x3FDB];
	_ =	sdelay $0x1  }
0x9a: {  	s5 =	simm.s32 $_scs_section_size  }
0x9b: {  	s6 =	simm.s32 $_size__tile_overlayer_lowered;
	s7 =	simm.s32 $_tile_overlayer_lowered  }
0x9c: {  	s22 =	simm.s32 $0x1BFF;
	s21 =	sshll.u32 s7, $0x1;
	s4 =	sadd.s32 s5, s19  }
0x9d: {  	s8 =	simm.s32 $0x0;
	s20 =	sshll.u32 s6, $0x1;
	s6 =	sadd.s32 s21, s4  }
0x9e: {  	[timem:s8], [sflag:s22] =	dma.local [hbm:s6], s20  }
0x9f: {  	_ =	swait.ge [sflag:s22], s20  }
0xa0: {  	s5 =	ssub.s32 $0x0, s20;
	[sflag:s22] =	ssyncset.done $0x0  }
0xa1: {  	[sflag:s22] =	ssyncadd.s32 s5;
	_ =	sdelay $0x1  }
0xa2: {  	s23 =	simm.s32 $0x1B8B  }
0xa3: {  	_ =	swait.ge [sflag:s23], $0x1  }
0xa4: {  	[sflag:s23] =	ssyncset.done $0x0  }
0xa5: {  	s25 =	simm.s32 $0x1B8E;
	s24 =	sld [smem:$0x3FFE];
	[sflag:s23] =	ssyncadd.s32 $0xFFFFFFFF  }
0xa6: {  	s26 =	simm.s32 $execute0_lowered;
	[smem:$0x3FD2] =	sst s25  }
0xa7: {  	s6 =	sshll.u32 s26, $0x1;
	_ =	strace $0x80000046;
	[dreg:$0x1] =	wrdreg $0xFFFFFFFF  }
0xa8: {  	s28 =	simm.s32 $_size_execute0_lowered;
	s4 =	sadd.s32 s4, s6;
	[dreg:$0x0] =	wrdreg $0x0  }
0xa9: {  	s6 =	sshll.u32 s28, $0x1;
	[dreg:$0x2] =	wrdreg s4  }
0xaa: {  	[dreg:$0x3] =	wrdreg s6  }
0xab: {  	[dreg:$0x4] =	wrdreg $0xC0  }
0xac: {  	_ =	task [dreg:s8], $0x5FFFF  }
0xad: {  	[dreg:$0x1] =	wrdreg $0xFFFFFFFF  }
0xae: {  	[dreg:$0x0] =	wrdreg $0x60  }
0xaf: {  	[dreg:$0x2] =	wrdreg s24  }
0xb0: {  	[dreg:$0x3] =	wrdreg s2  }
0xb1: {  	[dreg:$0x4] =	wrdreg s18  }
0xb2: {  	[dreg:$0x5] =	wrdreg $0x9  }
0xb3: {  	_ =	task.clear_ibuf [dreg:s8], $0x6FFFF;
	_ =	strace $0x90000046  }
0xb4: {  	s29 =	simm.s32 $0x9;
	_ =	strace $0x80000048  }
0xb5: {  	_ =	swait.ge [sflag:s29], $0x1  }
0xb6: {  	[sflag:s29] =	ssyncadd.s32 $0xFFFFFFFF  }
0xb7: {  	_ =	strace $0x90000048  }
0xb8: {  	_ =	sfence  }
0xb9: {  	s30 =	sld [smem:$0x0];
	_ =	sdelay $0x2  }
0xba: {  	s31 =	sshll.u32 s1, $0xD;
	s1 =	sshrl.u32 s1, $0x2  }
0xbb: {  	s3 =	sand.u32 $0x4000, s31;
	s1 =	sadd.s32 s1, s30  }
0xbc: {  	s0 =	sor.u32 s3, s0;
	s1 =	sshll.u32 s1, $0x11  }
0xbd: {  	s0 =	sor.u32 s1, s0  }
0xbe: {  	s0 =	sadd.s32 $0x8F2B, s0  }
0xbf: {  	[sflag:s0] =	ssyncadd.remote.s32 $0x1  }
0xc0: {  	_ =	sfence.sel $0xFFFF  }
0xc1: {  	[dreg:$0x0] =	wrdreg $0xFFFFFFFF;
	(pc) =	sbr.abs _section_cstart, $3  }
0xc2: {  	[dreg:$0x1] =	wrdreg $0xFFFFFFFF  }
0xc3: {  	_ =	task.clear_ibuf [dreg:s8], $0x2FFFF;
	_ =	strace $0x9FFFFFFF  }
0xc4: {  	(tm) =	ssettm $0x7FFFFFFF  }
0xc5: {  	_ =	shalt  }
tec
execute0_lowered:
.L_overlay_start_1:
0x0: {  	(tag) =	ssettag $0x1  }
0x1: {  	s0 =	rddreg [dreg:$0x0]  }
0x2: {  	s1 =	srdreg.scid;
	s2 =	rddreg [dreg:$0x1]  }
0x3: {  	s6 =	stileid.u32;
	s3 =	simm.s32 $0x0;
	s28 =	simm.s32 $0xA000  }
0x4: {  	s30 =	simm.s32 $0x1;
	s31 =	simm.s32 $0x2;
	s29 =	simm.s32 $0x400  }
0x5: {  	s1 =	sand.u32 $0x1, s1;
	[smem:$0x7FF] =	sst s3;
	s8 =	sadd.s32 $0xE800, s0  }
0x6: {  	s15 =	sadd.s32 $0xD400, s0;
	_ =	strace $0x80000047;
	[dreg:$0x4] =	wrdreg s8  }
0x7: {  	s16 =	sadd.s32 $0xEE00, s0;
	s19 =	sadd.s32 $0xD410, s0;
	[dreg:$0x5] =	wrdreg s15  }
0x8: {  	s20 =	sadd.s32 $0xD420, s0;
	s4 =	sshll.u32 s1, $0x4;
	[dreg:$0x9] =	wrdreg s19  }
0x9: {  	s1 =	ssub.s32 $0x2, s1;
	[dreg:$0xa] =	wrdreg s20;
	s4 =	sor.u32 s6, s4  }
0xa: {  	s19 =	simm.s32 $0x14000;
	s5 =	smul.u32 $0x1388, s4;
	s4 =	sshrl.u32 s4, $0x3  }
0xb: {  	s20 =	simm.s32 $0x16800;
	s6 =	sshll.u32 s6, $0x7;
	s4 =	smul.u32 $0x14000, s4  }
0xc: {  	s9 =	sshrl.u32 s1, $0x1;
	s6 =	sand.u32 $0x380, s6;
	s5 =	sshrl.u32 s5, $0x3  }
0xd: {  	s1 =	ssub.s32 s1, s9;
	s7 =	sadd.s32 s5, s0;
	s4 =	sor.u32 s6, s4  }
0xe: {  	s2 =	sadd.s32 s2, s5;
	s5 =	simm.s32 $0x0;
	s17 =	sshrl.u32 s4, $0x3  }
0xf: {  	s18 =	sadd.s32 $0x3600, s7;
	s7 =	sadd.s32 $0x8420, s7;
	[dreg:$0x8] =	wrdreg s2  }
0x10: {  	s23 =	sadd.s32 $0x50000, s4;
	s24 =	sadd.s32 $0xA0000, s4;
	[dreg:$0x6] =	wrdreg s18  }
0x11: {  	s4 =	sadd.s32 $0xF0000, s4;
	s10 =	sadd.s32 s17, s0;
	[dreg:$0x7] =	wrdreg s7  }
0x12: {  	s0 =	sadd.s32 $0xD430, s0;
	s22 =	sadd.s32 s16, s17;
	s2 =	sshrl.u32 s24, $0x3  }
0x13: {  	s26 =	sshrl.u32 s4, $0x3;
	s18 =	smax.u32 s1, $0x1;
	s24 =	simm.s32 $0x2800  }
0x14: {  	s1 =	simm.s32 $0xF000;
	s4 =	simm.s32 $0x3;
	[dreg:$0xb] =	wrdreg s0  }
0x15: {  	s21 =	sadd.s32 $0x36E00, s10;
	[dreg:$0xd] =	wrdreg s22;
	s0 =	sshrl.u32 s23, $0x3  }
0x16: {  	s25 =	sadd.s32 s16, s2;
	s17 =	sadd.s32 $0x40E00, s10;
	s22 =	simm.s32 $0x80  }
0x17: {  	s23 =	simm.s32 $0x200;
	s2 =	simm.s32 $0x11800;
	[dreg:$0xc] =	wrdreg s21  }
0x18: {  	s0 =	sadd.s32 s16, s0;
	[dreg:$0xf] =	wrdreg s25;
	s25 =	simm.s32 $0x5000  }
0x19: {  	s21 =	simm.s32 $0x19000;
	[dreg:$0xe] =	wrdreg s0;
	s0 =	sadd.s32 s16, s26  }
0x1a: {  	v0 =	vimm.f32 $0.0e+00;
	s26 =	simm.s32 $0x7800;
	[dreg:$0x10] =	wrdreg s0;
	s0 =	simm.s32 $0xC800  }
.LBB2_1:
0x1b: {  	s6 =	rddreg [dreg:$0x6];
	s7 =	simm.s32 $0x1B800  }
0x1c: {  	[tilespmem:s7], [sflag:$0x2] =	stream.linear.gather [hbm4b:s6+s3], $0x1388, $0x38;
	[tilespmem:$0x1F800] =	vst v63  }
0x1d: {  	s15 =	rddreg [dreg:$0x7];
	s16 =	simm.s32 $0x1CC00  }
0x1e: {  	[tilespmem:s16], [sflag:$0x2] =	stream.linear.gather [hbm4b:s15+s3], $0x1388, $0x38;
	[tilespmem:$0x1F800] =	vst v63  }
0x1f: {  	s8 =	rddreg [dreg:$0x8];
	s9 =	simm.s32 $0x1E000  }
0x20: {  	[tilespmem:s9], [sflag:$0x2] =	stream.linear.gather [hbm4b:s8+s3], $0x1388, $0x38;
	[tilespmem:$0x1F800] =	vst v63  }
0x21: {  	s10 =	rddreg [dreg:$0x4]  }
0x22: {  	[tilespmem:s3], [sflag:$0x1] =	stream.linear.gather [hbm4b:s10+s3], $0x2800, $0x38;
	[tilespmem:$0x1F800] =	vst v63  }
0x23: {  	s11 =	rddreg [dreg:$0x5]  }
0x24: {  	[tilespmem:s24], [sflag:$0x1] =	stream.strided.gather [hbm4b:s11+s22], $0x2800, s23, s22, $0x38;
	[tilespmem:$0x1F800] =	vst v63  }
0x25: {  	s12 =	rddreg [dreg:$0x9]  }
0x26: {  	[tilespmem:s25], [sflag:$0x1] =	stream.strided.gather [hbm4b:s12+s22], $0x2800, s23, s22, $0x38;
	[tilespmem:$0x1F800] =	vst v63  }
0x27: {  	s13 =	rddreg [dreg:$0xa]  }
0x28: {  	[tilespmem:s26], [sflag:$0x1] =	stream.strided.gather [hbm4b:s13+s22], $0x2800, s23, s22, $0x38;
	[tilespmem:$0x1F800] =	vst v63  }
0x29: {  	s14 =	rddreg [dreg:$0xb]  }
0x2a: {  	[tilespmem:s28], [sflag:$0x1] =	stream.strided.gather [hbm4b:s14+s22], $0x2800, s23, s22, $0x38;
	[tilespmem:$0x1F800] =	vst v63  }
0x2b: {  	s15 =	rddreg [dreg:$0x2];
	s16 =	simm.s32 $0x1F400;
	s9 =	simm.s32 $0xC840  }
0x2c: {  	[tilespmem:s16], [sflag:$0x1] =	stream.linear.gather [hbm4b:s15+s3], $0x400, $0x38;
	[tilespmem:$0x1F800] =	vst v63  }
0x2d: {  	[tilespmem:s9+$0x10] =	vst v0  }
0x2e: {  	[tilespmem:s9+$0xFFFFFFD0] =	vst v0  }
0x2f: {  	[tilespmem:s9+$0xFFFFFFF0] =	vst v0  }
0x30: {  	[tilespmem:s9+$0x0] =	vst v0  }
0x31: {  	[tilespmem:s9+$0x20] =	vst v0  }
0x32: {  	[tilespmem:s9+$0x30] =	vst v0  }
0x33: {  	[tilespmem:s9+$0xFFFFFFE0] =	vst v0  }
0x34: {  	s11 =	simm.s32 $0xF040;
	[tilespmem:s9+$0xFFFFFFC0] =	vst v0  }
0x35: {  	[tilespmem:s11+$0xFFFFFFC0] =	vst v0  }
0x36: {  	[tilespmem:s11+$0xFFFFFFE0] =	vst v0  }
0x37: {  	[tilespmem:s11+$0x30] =	vst v0  }
0x38: {  	[tilespmem:s11+$0x20] =	vst v0  }
0x39: {  	[tilespmem:s11+$0x0] =	vst v0  }
0x3a: {  	[tilespmem:s11+$0x10] =	vst v0  }
0x3b: {  	[tilespmem:s11+$0xFFFFFFD0] =	vst v0  }
0x3c: {  	s10 =	simm.s32 $0x11840;
	[tilespmem:s11+$0xFFFFFFF0] =	vst v0  }
0x3d: {  	[tilespmem:s10+$0xFFFFFFC0] =	vst v0  }
0x3e: {  	[tilespmem:s10+$0xFFFFFFE0] =	vst v0  }
0x3f: {  	[tilespmem:s10+$0x20] =	vst v0  }
0x40: {  	s7 =	simm.s32 $0x14040;
	[tilespmem:s10+$0x30] =	vst v0  }
0x41: {  	[tilespmem:s7+$0xFFFFFFC0] =	vst v0  }
0x42: {  	[tilespmem:s7+$0xFFFFFFE0] =	vst v0  }
0x43: {  	s8 =	simm.s32 $0x16840;
	[tilespmem:s7+$0x30] =	vst v0  }
0x44: {  	[tilespmem:s8+$0xFFFFFFC0] =	vst v0  }
0x45: {  	s6 =	simm.s32 $0x19040;
	[tilespmem:s8+$0xFFFFFFE0] =	vst v0  }
0x46: {  	s12 =	simm.s32 $0x0;
	s13 =	simm.s32 $0x190C0;
	[tilespmem:s6+$0xFFFFFFC0] =	vst v0  }
0x47: {  	s14 =	simm.s32 $0x118C0;
	s15 =	simm.s32 $0x140C0;
	s16 =	simm.s32 $0x168C0;
	[tilespmem:s6+$0xFFFFFFE0] =	vst v0  }
.LBB2_2:
0x48: {  	s12 =	sadd.s32 $0x8, s12;
	[tilespmem:s10+$0x10] =	vst v0;
	s9 =	sadd.s32 $0x80, s9;
	s11 =	sadd.s32 $0x80, s11  }
0x49: {  	p0 =	slt.u32 s12, $0x278;
	[tilespmem:s10+$0xFFFFFFF0] =	vst v0  }
0x4a: {  	[tilespmem:s10+$0xFFFFFFD0] =	vst v0  }
0x4b: {  	[tilespmem:s7+$0xFFFFFFF0] =	vst v0  }
0x4c: {  	[tilespmem:s10+$0x0] =	vst v0;
	s10 =	smov.u32 s14  }
0x4d: {  	[tilespmem:s7+$0x0] =	vst v0  }
0x4e: {  	[tilespmem:s7+$0x10] =	vst v0  }
0x4f: {  	[tilespmem:s8+$0x30] =	vst v0  }
0x50: {  	[tilespmem:s6+$0x30] =	vst v0  }
0x51: {  	[tilespmem:s7+$0x20] =	vst v0  }
0x52: {  	[tilespmem:s8+$0x10] =	vst v0  }
0x53: {  	[tilespmem:s6+$0x10] =	vst v0  }
0x54: {  	[tilespmem:s8+$0xFFFFFFF0] =	vst v0  }
0x55: {  	[tilespmem:s8+$0x20] =	vst v0  }
0x56: {  	[tilespmem:s8+$0x0] =	vst v0  }
0x57: {  	[tilespmem:s7+$0xFFFFFFD0] =	vst v0;
	s7 =	smov.u32 s15  }
0x58: {  	[tilespmem:s8+$0xFFFFFFD0] =	vst v0;
	s8 =	smov.u32 s16  }
0x59: {  	[tilespmem:s6+$0xFFFFFFD0] =	vst v0  }
0x5a: {  	[tilespmem:s6+$0xFFFFFFF0] =	vst v0  }
0x5b: {  	[tilespmem:s6+$0x20] =	vst v0  }
0x5c: {  	[tilespmem:s6+$0x0] =	vst v0;
	s6 =	smov.u32 s13  }
0x5d: {  	[tilespmem:s9+$0x10] =	vst v0  }
0x5e: {  	[tilespmem:s9+$0xFFFFFFD0] =	vst v0  }
0x5f: {  	[tilespmem:s9+$0xFFFFFFF0] =	vst v0  }
0x60: {  	[tilespmem:s9+$0x0] =	vst v0  }
0x61: {  	[tilespmem:s9+$0x20] =	vst v0  }
0x62: {  	[tilespmem:s9+$0x30] =	vst v0  }
0x63: {  	[tilespmem:s9+$0xFFFFFFE0] =	vst v0  }
0x64: {  	[tilespmem:s9+$0xFFFFFFC0] =	vst v0  }
0x65: {  	[tilespmem:s11+$0xFFFFFFC0] =	vst v0  }
0x66: {  	[tilespmem:s14+$0xFFFFFFC0] =	vst v0  }
0x67: {  	[tilespmem:s15+$0xFFFFFFC0] =	vst v0  }
0x68: {  	[tilespmem:s16+$0xFFFFFFC0] =	vst v0  }
0x69: {  	[tilespmem:s13+$0xFFFFFFC0] =	vst v0  }
0x6a: {  	[tilespmem:s11+$0xFFFFFFE0] =	vst v0  }
0x6b: {  	[tilespmem:s14+$0xFFFFFFE0] =	vst v0  }
0x6c: {  	[tilespmem:s15+$0xFFFFFFE0] =	vst v0  }
0x6d: {  	[tilespmem:s16+$0xFFFFFFE0] =	vst v0  }
0x6e: {  	[tilespmem:s13+$0xFFFFFFE0] =	vst v0  }
0x6f: {  	[tilespmem:s11+$0x30] =	vst v0  }
0x70: {  	[tilespmem:s11+$0x20] =	vst v0  }
0x71: {  	[tilespmem:s14+$0x20] =	vst v0  }
0x72: {  	[tilespmem:s11+$0x0] =	vst v0  }
.Ltmp0:
0x73: {  	[tilespmem:s14+$0x30] =	vst v0;
	(pc) =	sbr.rel @p0 .LBB2_2-.Ltmp0, $4  }
0x74: {  	[tilespmem:s15+$0x30] =	vst v0  }
0x75: {  	[tilespmem:s11+$0x10] =	vst v0  }
0x76: {  	s13 =	sadd.s32 $0x80, s13;
	[tilespmem:s11+$0xFFFFFFD0] =	vst v0  }
0x77: {  	s16 =	sadd.s32 $0x80, s16;
	s14 =	sadd.s32 $0x80, s14;
	s15 =	sadd.s32 $0x80, s15;
	[tilespmem:s11+$0xFFFFFFF0] =	vst v0  }
0x78: {  	[tilespmem:s10+$0x10] =	vst v0  }
0x79: {  	[tilespmem:s10+$0xFFFFFFF0] =	vst v0  }
0x7a: {  	[tilespmem:s10+$0xFFFFFFD0] =	vst v0  }
0x7b: {  	[tilespmem:s10+$0x0] =	vst v0  }
0x7c: {  	[tilespmem:s8+$0x30] =	vst v0  }
0x7d: {  	[tilespmem:s7+$0x20] =	vst v0  }
0x7e: {  	[tilespmem:s7+$0xFFFFFFF0] =	vst v0  }
0x7f: {  	[tilespmem:s7+$0x0] =	vst v0  }
0x80: {  	[tilespmem:s7+$0x10] =	vst v0  }
0x81: {  	[tilespmem:s6+$0x30] =	vst v0  }
0x82: {  	[tilespmem:s8+$0x20] =	vst v0  }
0x83: {  	[tilespmem:s7+$0xFFFFFFD0] =	vst v0  }
0x84: {  	[tilespmem:s8+$0x10] =	vst v0  }
0x85: {  	[tilespmem:s8+$0xFFFFFFF0] =	vst v0  }
0x86: {  	[tilespmem:s8+$0x0] =	vst v0  }
0x87: {  	[tilespmem:s8+$0xFFFFFFD0] =	vst v0  }
0x88: {  	[tilespmem:s6+$0x20] =	vst v0  }
0x89: {  	[tilespmem:s6+$0x10] =	vst v0  }
0x8a: {  	[tilespmem:s6+$0xFFFFFFD0] =	vst v0  }
0x8b: {  	[tilespmem:s6+$0xFFFFFFF0] =	vst v0  }
0x8c: {  	[tilespmem:s6+$0x0] =	vst v0  }
0x8d: {  	_ =	swait.ge [sflag:s30], $0x2800  }
0x8e: {  	[sflag:s30] =	ssyncset.done $0x0  }
0x8f: {  	[sflag:s30] =	ssyncadd.s32 $0xFFFFD800  }
0x90: {  	_ =	swait.ge [sflag:s30], $0x2800  }
0x91: {  	[sflag:s30] =	ssyncset.done $0x0  }
0x92: {  	[sflag:s30] =	ssyncadd.s32 $0xFFFFD800  }
0x93: {  	_ =	swait.ge [sflag:s30], $0x2800  }
0x94: {  	[sflag:s30] =	ssyncset.done $0x0  }
0x95: {  	[sflag:s30] =	ssyncadd.s32 $0xFFFFD800  }
0x96: {  	_ =	swait.ge [sflag:s30], $0x2800  }
0x97: {  	[sflag:s30] =	ssyncset.done $0x0  }
0x98: {  	[sflag:s30] =	ssyncadd.s32 $0xFFFFD800  }
0x99: {  	_ =	swait.ge [sflag:s30], $0x2800  }
0x9a: {  	[sflag:s30] =	ssyncset.done $0x0  }
0x9b: {  	[sflag:s30] =	ssyncadd.s32 $0xFFFFD800  }
0x9c: {  	_ =	swait.ge [sflag:s30], $0x400  }
0x9d: {  	[sflag:s30] =	ssyncset.done $0x0  }
0x9e: {  	[sflag:s30] =	ssyncadd.s32 $0xFFFFFC00  }
0x9f: {  	_ =	swait.ge [sflag:s31], $0x1388  }
0xa0: {  	[sflag:s31] =	ssyncset.done $0x0  }
0xa1: {  	[sflag:s31] =	ssyncadd.s32 $0xFFFFEC78  }
0xa2: {  	_ =	swait.ge [sflag:s31], $0x1388  }
0xa3: {  	[sflag:s31] =	ssyncset.done $0x0  }
0xa4: {  	[sflag:s31] =	ssyncadd.s32 $0xFFFFEC78  }
0xa5: {  	_ =	swait.ge [sflag:s31], $0x1388  }
0xa6: {  	[sflag:s31] =	ssyncset.done $0x0  }
0xa7: {  	[sflag:s31] =	ssyncadd.s32 $0xFFFFEC78  }
0xa8: {  	v1 =	vld [tilespmem:$0x1F400]  }
0xa9: {  	v4 =	vld [tilespmem:$0x1F500]  }
0xaa: {  	v5 =	vld [tilespmem:$0x1F580]  }
0xab: {  	v3 =	vld [tilespmem:$0x1F600]  }
0xac: {  	s6 =	simm.s32 $0x1B820;
	v2 =	vld [tilespmem:$0x1F680]  }
0xad: {  	v8 =	vld [tilespmem:s6+$0x0]  }
0xae: {  	s7 =	simm.s32 $0x1E020;
	v12 =	vld [tilespmem:s6+$0x10]  }
0xaf: {  	v7 =	vld [tilespmem:s7+$0x0]  }
0xb0: {  	s16 =	simm.s32 $0x1CC20;
	v16 =	vld [tilespmem:s6+$0xFFFFFFE0]  }
0xb1: {  	v6 =	vld [tilespmem:s16+$0xFFFFFFE0]  }
0xb2: {  	v9 =	vld [tilespmem:s16+$0x0]  }
0xb3: {  	v11 =	vld [tilespmem:s16+$0x10]  }
0xb4: {  	v13 =	vld [tilespmem:s7+$0x10]  }
0xb5: {  	v10 =	vld.idx.msk [tilespmem:v8+s28+$0x0], $0xffff  }
0xb6: {  	v20 =	vld.idx.msk [tilespmem:v12+s25+$0x0], $0xffff  }
0xb7: {  	v28 =	vld.idx.msk [tilespmem:v12+s24+$0x0], $0xffff  }
0xb8: {  	v21 =	vld.idx.msk [tilespmem:v12+s26+$0x0], $0xffff  }
0xb9: {  	v26 =	vld.idx.msk [tilespmem:v8+s25+$0x0], $0xffff  }
0xba: {  	v27 =	vld.idx.msk [tilespmem:v8+s24+$0x0], $0xffff  }
0xbb: {  	v22 =	vld.idx.msk [tilespmem:v12+s28+$0x0], $0xffff  }
0xbc: {  	v14 =	vld.idx.msk [tilespmem:v8+s26+$0x0], $0xffff;
	v8 =	vmul.f32 v20, v5;
	v12 =	vmul.f32 v28, v4  }
0xbd: {  	v17 =	vld.idx.msk [tilespmem:v11+s3+$0x0], $0xffff  }
0xbe: {  	v19 =	vld.idx.msk [tilespmem:v16+s24+$0x0], $0xffff;
	v15 =	vmul.f32 v21, v3;
	v8 =	vadd.f32 v8, v12  }
0xbf: {  	v23 =	vld.idx.msk [tilespmem:v16+s25+$0x0], $0xffff;
	v18 =	vmul.f32 v27, v4;
	v12 =	vmul.f32 v26, v5  }
0xc0: {  	v30 =	vld [tilespmem:s6+$0xFFFFFFF0];
	v25 =	vmul.f32 v22, v2;
	v8 =	vadd.f32 v15, v8  }
0xc1: {  	v15 =	vld.idx.msk [tilespmem:v16+s26+$0x0], $0xffff;
	v12 =	vadd.f32 v12, v18;
	v18 =	vmul.f32 v14, v3  }
0xc2: {  	v24 =	vld.idx.msk [tilespmem:v9+s3+$0x0], $0xffff;
	v8 =	vadd.f32 v25, v8  }
0xc3: {  	v29 =	vmul.f32 v10, v2;
	v31 =	vmul.f32 v19, v4;
	v16 =	vld.idx.msk [tilespmem:v16+s28+$0x0], $0xffff;
	v18 =	vadd.f32 v18, v12  }
0xc4: {  	v32 =	vmul.f32 v23, v5;
	v25 =	vmul.f32 v13, v1;
	v12 =	vld [tilespmem:s16+$0xFFFFFFF0];
	v17 =	vadd.f32 v8, v17  }
0xc5: {  	v8 =	vld [tilespmem:$0x1F480];
	v18 =	vadd.f32 v29, v18  }
0xc6: {  	v31 =	vadd.f32 v32, v31;
	v29 =	vld.idx.msk [tilespmem:v6+s3+$0x0], $0xffff;
	v33 =	vmul.f32 v15, v3;
	v25 =	vadd.f32 v17, v25  }
0xc7: {  	v60 =	vmul.f32 v7, v1;
	v17 =	vld [tilespmem:s7+$0xFFFFFFE0];
	v18 =	vadd.f32 v18, v24  }
0xc8: {  	v61 =	vmul.f32 v16, v2;
	v24 =	vadd.f32 v33, v31;
	v31 =	vmul.f32 $2.000000030e-01, v25  }
0xc9: {  	vm0 =	vgt.f32 v25, $0.0e+00;
	v32 =	vadd.f32 v18, v60  }
0xca: {  	v24 =	vadd.f32 v61, v24;
	v25 =	vsel vm0, v25, v31  }
0xcb: {  	v18 =	vld.idx.msk [tilespmem:v30+s28+$0x0], $0xffff;
	v34 =	vmul.f32 $2.000000030e-01, v32;
	v62 =	vsub.f32 v25, v8  }
0xcc: {  	v31 =	vld.idx.msk [tilespmem:v12+s3+$0x0], $0xffff;
	vm0 =	vgt.f32 v32, $0.0e+00;
	v35 =	vmul.f32 v17, v1;
	v29 =	vadd.f32 v24, v29  }
0xcd: {  	v25 =	vld.idx.msk [tilespmem:v30+s26+$0x0], $0xffff;
	v32 =	vsel vm0, v32, v34;
	v63 =	vmul.f32 $1.442695020e+00, v62  }
0xce: {  	v24 =	vld [tilespmem:s7+$0xFFFFFFF0];
	v33 =	vadd.f32 v29, v35;
	v32 =	vsub.f32 v32, v8  }
0xcf: {  	v29 =	vld.idx.msk [tilespmem:v30+s25+$0x0], $0xffff;
	(erf) = vpow2.f32 v63  }
0xd0: {  	s9 =	simm.s32 $0x1CC60;
	s8 =	simm.s32 $0x0;
	v35 =	vmul.f32 v18, v2;
	v30 =	vld.idx.msk [tilespmem:v30+s24+$0x0], $0xffff;
	vm0 =	vgt.f32 v33, $0.0e+00;
	v36 =	vmul.f32 $1.442695020e+00, v32  }
.LBB2_4:
0xd1: {  	v32 =	vld [tilespmem:s9+$0xFFFFFFF0];
	s8 =	sadd.s32 $0x4, s8;
	v37 =	vmul.f32 $2.000000030e-01, v33;
	s7 =	sadd.s32 $0x40, s7;
	s6 =	sadd.s32 $0x40, s6  }
0xd2: {  	v34 =	vld [tilespmem:s7+$0x0];
	p0 =	slt.u32 s8, $0x134;
	(erf) = vpow2.f32 v36  }
0xd3: {  	v39 =	vld [tilespmem:s6+$0x0];
	v33 =	vsel vm0, v33, v37  }
0xd4: {  	v40 =	vld [tilespmem:s6+$0x10];
	v36 =	vsub.f32 v33, v8  }
0xd5: {  	v38 =	vmul.f32 v29, v5;
	v41 =	vld [tilespmem:s6+$0xFFFFFFE0]  }
0xd6: {  	v42 =	vmul.f32 v30, v4;
	v33 =	vld [tilespmem:s9+$0xFFFFFFE0];
	v44 =	vmul.f32 $1.442695020e+00, v36  }
0xd7: {  	v37 =	vld [tilespmem:s9+$0x0]  }
0xd8: {  	v38 =	vadd.f32 v38, v42;
	v42 =	vmul.f32 v25, v3;
	v43 =	vld [tilespmem:s9+$0x10];
	(erf) = vpow2.f32 v44;
	v36 =	vpop (erf)  }
0xd9: {  	v44 =	vld [tilespmem:s7+$0x10];
	v47 =	vmul.f32 v36, v28;
	v45 =	vmul.f32 v36, v20  }
0xda: {  	v20 =	vadd.f32 v42, v38;
	v42 =	vmul.f32 v36, v21;
	[tilespmem:v11+s0+$0x0] =	vst.idx.add.f32.msk $0xffff, v36  }
0xdb: {  	v46 =	vmul.f32 v36, v22;
	[tilespmem:v11+s1+$0x0] =	vst.idx.add.f32.msk $0xffff, v47;
	v28 =	vpop (erf)  }
0xdc: {  	v21 =	vadd.f32 v35, v20;
	v47 =	vld.idx.msk [tilespmem:v39+s28+$0x0], $0xffff;
	v48 =	vmul.f32 v28, v27;
	v49 =	vmul.f32 v28, v26  }
0xdd: {  	v20 =	vld.idx.msk [tilespmem:v40+s25+$0x0], $0xffff  }
0xde: {  	v27 =	vmul.f32 v24, v1;
	v26 =	vadd.f32 v21, v31;
	v38 =	vld.idx.msk [tilespmem:v33+s3+$0x0], $0xffff  }
0xdf: {  	v21 =	vld.idx.msk [tilespmem:v40+s26+$0x0], $0xffff  }
0xe0: {  	v26 =	vadd.f32 v26, v27;
	v22 =	vld.idx.msk [tilespmem:v40+s28+$0x0], $0xffff  }
0xe1: {  	v50 =	vld.idx.msk [tilespmem:v37+s3+$0x0], $0xffff;
	v35 =	vpop (erf)  }
0xe2: {  	v53 =	vmul.f32 v28, v14;
	v51 =	vld.idx.msk [tilespmem:v43+s3+$0x0], $0xffff;
	v52 =	vmul.f32 v35, v19  }
0xe3: {  	v55 =	vmul.f32 v28, v10;
	v10 =	vmov v47;
	v54 =	vmul.f32 v35, v23;
	v36 =	vld [tilespmem:s6+$0xFFFFFFF0]  }
0xe4: {  	v47 =	vmul.f32 v20, v5;
	v14 =	vld.idx.msk [tilespmem:v39+s26+$0x0], $0xffff  }
0xe5: {  	vm0 =	vgt.f32 v26, $0.0e+00;
	v23 =	vmul.f32 $2.000000030e-01, v26;
	v27 =	vld.idx.msk [tilespmem:v41+s28+$0x0], $0xffff  }
0xe6: {  	v57 =	vmul.f32 v35, v15;
	v56 =	vmul.f32 v21, v3;
	v19 =	vld.idx.msk [tilespmem:v41+s24+$0x0], $0xffff  }
0xe7: {  	v59 =	vmul.f32 v35, v16;
	v16 =	vsel vm0, v26, v23;
	v58 =	vmul.f32 v22, v2;
	v15 =	vld.idx.msk [tilespmem:v41+s26+$0x0], $0xffff  }
0xe8: {  	v60 =	vsub.f32 v16, v8;
	[tilespmem:v9+s0+$0x0] =	vst.idx.add.f32.msk $0xffff, v28  }
0xe9: {  	v23 =	vld.idx.msk [tilespmem:v41+s25+$0x0], $0xffff  }
0xea: {  	[tilespmem:v11+s2+$0x0] =	vst.idx.add.f32.msk $0xffff, v45  }
0xeb: {  	v16 =	vmov v27;
	v31 =	vld.idx.msk [tilespmem:v32+s3+$0x0], $0xffff  }
0xec: {  	v28 =	vld.idx.msk [tilespmem:v40+s24+$0x0], $0xffff  }
0xed: {  	v40 =	vld.idx.msk [tilespmem:v36+s28+$0x0], $0xffff  }
0xee: {  	v41 =	vmul.f32 $1.442695020e+00, v60;
	v26 =	vld.idx.msk [tilespmem:v39+s25+$0x0], $0xffff  }
0xef: {  	v60 =	vmul.f32 v44, v1;
	v45 =	vld.idx.msk [tilespmem:v36+s26+$0x0], $0xffff  }
0xf0: {  	v27 =	vld.idx.msk [tilespmem:v39+s24+$0x0], $0xffff;
	(erf) = vpow2.f32 v41  }
0xf1: {  	v39 =	vld [tilespmem:s7+$0xFFFFFFE0]  }
0xf2: {  	v41 =	vmul.f32 v28, v4;
	[tilespmem:v11+s19+$0x0] =	vst.idx.add.f32.msk $0xffff, v42  }
0xf3: {  	v42 =	vmul.f32 v15, v3;
	[tilespmem:v11+s20+$0x0] =	vst.idx.add.f32.msk $0xffff, v46  }
0xf4: {  	v41 =	vadd.f32 v47, v41;
	[tilespmem:v6+s0+$0x0] =	vst.idx.add.f32.msk $0xffff, v35  }
0xf5: {  	v46 =	vmul.f32 v19, v4;
	v47 =	vmul.f32 v26, v5;
	[tilespmem:v11+s21+$0x0] =	vst.idx.add.f32.msk $0xffff, v13;
	v11 =	vmov v43  }
0xf6: {  	v35 =	vmul.f32 v40, v2;
	v41 =	vadd.f32 v56, v41;
	v13 =	vmov v44;
	[tilespmem:v6+s1+$0x0] =	vst.idx.add.f32.msk $0xffff, v52  }
0xf7: {  	v43 =	vmul.f32 v27, v4;
	[tilespmem:v9+s1+$0x0] =	vst.idx.add.f32.msk $0xffff, v48  }
0xf8: {  	v41 =	vadd.f32 v58, v41;
	[tilespmem:v9+s2+$0x0] =	vst.idx.add.f32.msk $0xffff, v49  }
0xf9: {  	v44 =	vmul.f32 v14, v3;
	v43 =	vadd.f32 v47, v43;
	[tilespmem:v6+s2+$0x0] =	vst.idx.add.f32.msk $0xffff, v54;
	v47 =	vpop (erf)  }
0xfa: {  	v48 =	vmul.f32 v23, v5;
	v41 =	vadd.f32 v41, v51;
	v49 =	vld [tilespmem:s7+$0xFFFFFFF0];
	v51 =	vmul.f32 v47, v25;
	v25 =	vmovc v45  }
0xfb: {  	v43 =	vadd.f32 v44, v43;
	v44 =	vmul.f32 v10, v2;
	[tilespmem:v9+s19+$0x0] =	vst.idx.add.f32.msk $0xffff, v53  }
0xfc: {  	v29 =	vmul.f32 v47, v29;
	v41 =	vadd.f32 v41, v60;
	[tilespmem:v9+s20+$0x0] =	vst.idx.add.f32.msk $0xffff, v55  }
0xfd: {  	v45 =	vadd.f32 v48, v46;
	v43 =	vadd.f32 v44, v43;
	[tilespmem:v9+s21+$0x0] =	vst.idx.add.f32.msk $0xffff, v7;
	v7 =	vmov v34  }
0xfe: {  	v30 =	vmul.f32 v47, v30;
	v9 =	vmov v37;
	v34 =	vmul.f32 v7, v1;
	[tilespmem:v12+s0+$0x0] =	vst.idx.add.f32.msk $0xffff, v47  }
0xff: {  	v37 =	vadd.f32 v42, v45;
	v42 =	vadd.f32 v43, v50;
	v43 =	vmul.f32 $2.000000030e-01, v41;
	[tilespmem:v6+s19+$0x0] =	vst.idx.add.f32.msk $0xffff, v57  }
0x100: {  	v44 =	vmul.f32 v16, v2;
	vm0 =	vgt.f32 v41, $0.0e+00;
	[tilespmem:v12+s1+$0x0] =	vst.idx.add.f32.msk $0xffff, v30;
	v30 =	vmul.f32 v47, v18  }
0x101: {  	v41 =	vsel vm0, v41, v43;
	v34 =	vadd.f32 v42, v34;
	v18 =	vmov v40;
	[tilespmem:v12+s2+$0x0] =	vst.idx.add.f32.msk $0xffff, v29  }
0x102: {  	v29 =	vadd.f32 v44, v37;
	v37 =	vsub.f32 v41, v8;
	[tilespmem:v12+s19+$0x0] =	vst.idx.add.f32.msk $0xffff, v51  }
0x103: {  	v40 =	vmul.f32 v39, v1;
	v41 =	vmul.f32 $2.000000030e-01, v34;
	[tilespmem:v6+s20+$0x0] =	vst.idx.add.f32.msk $0xffff, v59  }
.Ltmp1:
0x104: {  	vm0 =	vgt.f32 v34, $0.0e+00;
	v29 =	vadd.f32 v29, v38;
	v37 =	vmul.f32 $1.442695020e+00, v37;
	[tilespmem:v6+s21+$0x0] =	vst.idx.add.f32.msk $0xffff, v17;
	v6 =	vmovc v33;
	(pc) =	sbr.rel @p0 .LBB2_4-.Ltmp1, $4  }
0x105: {  	v34 =	vsel vm0, v34, v41;
	v17 =	vmov v39;
	[tilespmem:v12+s20+$0x0] =	vst.idx.add.f32.msk $0xffff, v30  }
0x106: {  	v33 =	vadd.f32 v29, v40;
	v34 =	vsub.f32 v34, v8;
	[tilespmem:v12+s21+$0x0] =	vst.idx.add.f32.msk $0xffff, v24;
	v12 =	vmov v32  }
0x107: {  	v24 =	vmov v49;
	v29 =	vld.idx.msk [tilespmem:v36+s25+$0x0], $0xffff;
	(erf) = vpow2.f32 v37  }
0x108: {  	s9 =	sadd.s32 $0x40, s9;
	vm0 =	vgt.f32 v33, $0.0e+00;
	v30 =	vld.idx.msk [tilespmem:v36+s24+$0x0], $0xffff;
	v36 =	vmul.f32 $1.442695020e+00, v34  }
0x109: {  	_ =	sdelay $0x3  }
0x10a: {  	v32 =	vmul.f32 v29, v5;
	v34 =	vmul.f32 v30, v4;
	_ =	sdelay $0x1  }
0x10b: {  	v43 =	vmul.f32 v25, v3;
	v32 =	vadd.f32 v32, v34;
	_ =	sdelay $0x1  }
0x10c: {  	(erf) = vpow2.f32 v36;
	v32 =	vadd.f32 v43, v32;
	_ =	sdelay $0x1  }
0x10d: {  	v37 =	vmul.f32 $2.000000030e-01, v33;
	v32 =	vadd.f32 v35, v32;
	_ =	sdelay $0x1  }
0x10e: {  	v44 =	vmul.f32 v24, v1;
	v33 =	vsel vm0, v33, v37;
	v31 =	vadd.f32 v32, v31  }
0x10f: {  	v33 =	vsub.f32 v33, v8  }
0x110: {  	v45 =	vpop (erf);
	v31 =	vadd.f32 v31, v44  }
0x111: {  	v33 =	vmul.f32 $1.442695020e+00, v33;
	v28 =	vmul.f32 v45, v28  }
0x112: {  	[tilespmem:v11+s0+$0x0] =	vst.idx.add.f32.msk $0xffff, v45;
	v46 =	vmul.f32 $2.000000030e-01, v31  }
0x113: {  	(erf) = vpow2.f32 v33;
	v20 =	vmul.f32 v45, v20;
	[tilespmem:v11+s1+$0x0] =	vst.idx.add.f32.msk $0xffff, v28;
	v47 =	vpop (erf);
	vm14 =	vgt.f32 v31, $0.0e+00  }
0x114: {  	v21 =	vmul.f32 v45, v21;
	[tilespmem:v9+s0+$0x0] =	vst.idx.add.f32.msk $0xffff, v47;
	v31 =	vsel vm14, v31, v46  }
0x115: {  	v22 =	vmul.f32 v45, v22;
	[tilespmem:v11+s2+$0x0] =	vst.idx.add.f32.msk $0xffff, v20;
	v31 =	vsub.f32 v31, v8  }
0x116: {  	v50 =	vmul.f32 v47, v27;
	[tilespmem:v11+s19+$0x0] =	vst.idx.add.f32.msk $0xffff, v21  }
0x117: {  	[tilespmem:v11+s20+$0x0] =	vst.idx.add.f32.msk $0xffff, v22;
	v48 =	vmul.f32 $1.442695020e+00, v31  }
0x118: {  	v51 =	vmul.f32 v47, v26;
	[tilespmem:v9+s1+$0x0] =	vst.idx.add.f32.msk $0xffff, v50  }
0x119: {  	v14 =	vmul.f32 v47, v14;
	[tilespmem:v11+s21+$0x0] =	vst.idx.add.f32.msk $0xffff, v13;
	(erf) = vpow2.f32 v48  }
0x11a: {  	v10 =	vmul.f32 v47, v10;
	[tilespmem:v9+s2+$0x0] =	vst.idx.add.f32.msk $0xffff, v51  }
0x11b: {  	[tilespmem:v9+s19+$0x0] =	vst.idx.add.f32.msk $0xffff, v14  }
0x11c: {  	v49 =	vpop (erf);
	[tilespmem:v9+s20+$0x0] =	vst.idx.add.f32.msk $0xffff, v10  }
0x11d: {  	v19 =	vmul.f32 v49, v19;
	[tilespmem:v6+s0+$0x0] =	vst.idx.add.f32.msk $0xffff, v49  }
0x11e: {  	v52 =	vmul.f32 v49, v23;
	[tilespmem:v9+s21+$0x0] =	vst.idx.add.f32.msk $0xffff, v7  }
0x11f: {  	v53 =	vmul.f32 v49, v15;
	[tilespmem:v6+s1+$0x0] =	vst.idx.add.f32.msk $0xffff, v19  }
0x120: {  	v58 =	vmul.f32 v49, v16;
	[tilespmem:v6+s2+$0x0] =	vst.idx.add.f32.msk $0xffff, v52  }
0x121: {  	[tilespmem:v6+s19+$0x0] =	vst.idx.add.f32.msk $0xffff, v53  }
0x122: {  	[tilespmem:v6+s20+$0x0] =	vst.idx.add.f32.msk $0xffff, v58;
	v54 =	vpop (erf)  }
0x123: {  	[tilespmem:v6+s21+$0x0] =	vst.idx.add.f32.msk $0xffff, v17;
	v55 =	vmul.f32 v54, v30  }
0x124: {  	[tilespmem:v12+s0+$0x0] =	vst.idx.add.f32.msk $0xffff, v54;
	v56 =	vmul.f32 v54, v29  }
0x125: {  	v57 =	vmul.f32 v54, v25;
	[tilespmem:v12+s1+$0x0] =	vst.idx.add.f32.msk $0xffff, v55  }
0x126: {  	v59 =	vmul.f32 v54, v18;
	[tilespmem:v12+s2+$0x0] =	vst.idx.add.f32.msk $0xffff, v56  }
0x127: {  	[tilespmem:v12+s19+$0x0] =	vst.idx.add.f32.msk $0xffff, v57  }
0x128: {  	[tilespmem:v12+s20+$0x0] =	vst.idx.add.f32.msk $0xffff, v59  }
0x129: {  	[tilespmem:v12+s21+$0x0] =	vst.idx.add.f32.msk $0xffff, v24  }
0x12a: {  	v6 =	vld [tilespmem:$0x1CB80];
	_ =	sdelay $0x6  }
0x12b: {  	v7 =	vld [tilespmem:$0x1DF80]  }
0x12c: {  	v9 =	vld.idx.msk [tilespmem:v6+s24+$0x0], $0xff  }
0x12d: {  	v10 =	vld.idx.msk [tilespmem:v6+s25+$0x0], $0xff;
	_ =	sdelay $0x1  }
0x12e: {  	v60 =	vld.idx.msk [tilespmem:v6+s26+$0x0], $0xff;
	_ =	sdelay $0x1  }
0x12f: {  	v6 =	vld.idx.msk [tilespmem:v6+s28+$0x0], $0xff  }
0x130: {  	v61 =	vmul.f32 v9, v4;
	v62 =	vmul.f32 v10, v5;
	_ =	sdelay $0x1  }
0x131: {  	v12 =	vld [tilespmem:$0x1F380];
	v3 =	vmul.f32 v60, v3;
	v4 =	vadd.f32 v62, v61  }
0x132: {  	v63 =	vld.idx.msk [tilespmem:v7+s3+$0x0], $0xff  }
0x133: {  	v2 =	vmul.f32 v6, v2;
	v3 =	vadd.f32 v3, v4;
	_ =	sdelay $0x1  }
0x134: {  	v2 =	vadd.f32 v2, v3;
	_ =	sdelay $0x1  }
0x135: {  	v1 =	vmul.f32 v12, v1;
	v2 =	vadd.f32 v2, v63;
	_ =	sdelay $0x1  }
0x136: {  	v1 =	vadd.f32 v2, v1;
	_ =	sdelay $0x1  }
0x137: {  	v2 =	vmul.f32 $2.000000030e-01, v1  }
0x138: {  	vm15 =	vgt.f32 v1, $0.0e+00  }
0x139: {  	v1 =	vsel vm15, v1, v2  }
0x13a: {  	v1 =	vsub.f32 v1, v8;
	_ =	sdelay $0x1  }
0x13b: {  	v1 =	vmul.f32 $1.442695020e+00, v1;
	_ =	sdelay $0x1  }
0x13c: {  	(erf) = vpow2.f32 v1;
	_ =	sdelay $0x8  }
0x13d: {  	v1 =	vpop (erf)  }
0x13e: {  	v2 =	vmul.f32 v1, v9  }
0x13f: {  	[tilespmem:v7+s0+$0x0] =	vst.idx.add.f32.msk $0xff, v1;
	v3 =	vmul.f32 v1, v10  }
0x140: {  	[tilespmem:v7+s1+$0x0] =	vst.idx.add.f32.msk $0xff, v2;
	v2 =	vmul.f32 v1, v60  }
0x141: {  	v1 =	vmul.f32 v1, v6;
	[tilespmem:v7+s2+$0x0] =	vst.idx.add.f32.msk $0xff, v3  }
0x142: {  	[tilespmem:v7+s19+$0x0] =	vst.idx.add.f32.msk $0xff, v2  }
0x143: {  	[tilespmem:v7+s20+$0x0] =	vst.idx.add.f32.msk $0xff, v1  }
0x144: {  	s6 =	rddreg [dreg:$0xc];
	[tilespmem:v7+s21+$0x0] =	vst.idx.add.f32.msk $0xff, v12  }
0x145: {  	[hbm4b:s6+s22] =	stream.strided.scatter [tilespmem:s0], [sflag:$0x3], $0x2800, s29, s22, $0x38;
	[tilespmem:$0x1F800] =	vst v63  }
0x146: {  	_ =	swait.ge [sflag:s4], $0x2800  }
0x147: {  	[sflag:s4] =	ssyncset.done $0x0  }
0x148: {  	s13 =	rddreg [dreg:$0xd];
	[sflag:s4] =	ssyncadd.s32 $0xFFFFD800  }
0x149: {  	[hbm4b:s13+s22] =	stream.strided.scatter [tilespmem:s1], [sflag:$0x3], $0x2800, s29, s22, $0x38;
	[tilespmem:$0x1F800] =	vst v63  }
0x14a: {  	_ =	swait.ge [sflag:s4], $0x2800  }
0x14b: {  	[sflag:s4] =	ssyncset.done $0x0  }
0x14c: {  	s14 =	rddreg [dreg:$0xe];
	[sflag:s4] =	ssyncadd.s32 $0xFFFFD800  }
0x14d: {  	[hbm4b:s14+s22] =	stream.strided.scatter [tilespmem:s2], [sflag:$0x3], $0x2800, s29, s22, $0x38;
	[tilespmem:$0x1F800] =	vst v63  }
0x14e: {  	_ =	swait.ge [sflag:s4], $0x2800  }
0x14f: {  	[sflag:s4] =	ssyncset.done $0x0  }
0x150: {  	s15 =	rddreg [dreg:$0xf];
	[sflag:s4] =	ssyncadd.s32 $0xFFFFD800  }
0x151: {  	[hbm4b:s15+s22] =	stream.strided.scatter [tilespmem:s19], [sflag:$0x3], $0x2800, s29, s22, $0x38;
	[tilespmem:$0x1F800] =	vst v63  }
0x152: {  	_ =	swait.ge [sflag:s4], $0x2800  }
0x153: {  	[sflag:s4] =	ssyncset.done $0x0  }
0x154: {  	s16 =	rddreg [dreg:$0x10];
	[sflag:s4] =	ssyncadd.s32 $0xFFFFD800  }
0x155: {  	[hbm4b:s16+s22] =	stream.strided.scatter [tilespmem:s20], [sflag:$0x3], $0x2800, s29, s22, $0x38;
	[tilespmem:$0x1F800] =	vst v63  }
0x156: {  	s5 =	sadd.s32 $0x1, s5;
	_ =	swait.ge [sflag:s4], $0x2800  }
0x157: {  	p0 =	sne.s32 s5, s18;
	[sflag:s4] =	ssyncset.done $0x0  }
.Ltmp2:
0x158: {  	[sflag:s4] =	ssyncadd.s32 $0xFFFFD800;
	(pc) =	sbr.rel @p0 .LBB2_1-.Ltmp2, $4  }
0x159: {  	[hbm4b:s17+s22] =	stream.strided.scatter [tilespmem:s21], [sflag:$0x3], $0x2800, s29, s22, $0x38;
	[tilespmem:$0x1F800] =	vst v63  }
0x15a: {  	_ =	swait.ge [sflag:s4], $0x2800  }
0x15b: {  	[sflag:s4] =	ssyncset.done $0x0  }
0x15c: {  	[sflag:s4] =	ssyncadd.s32 $0xFFFFD800  }
0x15d: {  	_ =	sfence.sel $0x180000  }
0x15e: {  	[bflag:$0x0] =	sbarrier.arrive $0xFFFF  }
0x15f: {  	_ =	strace $0x90000047  }
0x160: {  	s0 =	stileid.u32;
	[bflag:$0x2] =	sbarrier.arrive $0xFFFF  }
0x161: {  	p0 =	sne.s32 s0, $0x0;
	s0 =	rddreg [dreg:$0x3]  }
0x162: {  	s0 =	sadd.s32 @!p0 $0x100000, s0  }
0x163: {  	[sflag:s0] =	ssyncadd.tile.s32 @!p0 $0x1;
	_ =	shalt  }
.Lfunc_end2:
_tile_overlayer_lowered:
.L_overlay_start_2:
0x164: {  	(tag) =	ssettag $0x2  }
0x165: {  	s0 =	rddreg [dreg:$0x0];
	s2 =	stileid.u32  }
0x166: {  	s1 =	rddreg [dreg:$0x1];
	p0 =	sne.s32 s2, $0x0  }
0x167: {  	s3 =	rddreg [dreg:$0x2];
	[bflag:$0x3] =	sbarrier.arrive $0xFFFF;
	s2 =	simm.s32 @!p0 $0x1C03  }
0x168: {  	[timem:s3], [sflag:s2] =	dma.local @!p0 [hbm:s0], s1  }
0x169: {  	s0 =	simm.s32 @!p0 $0x3  }
0x16a: {  	_ =	swait.ge @!p0 [sflag:s0], s1  }
0x16b: {  	s1 =	ssub.s32 @!p0 $0x0, s1;
	[sflag:s0] =	ssyncset.done @!p0 $0x0  }
0x16c: {  	[sflag:s0] =	ssyncadd.s32 @!p0 s1  }
0x16d: {  	[bflag:$0x3] =	sbarrier.arrive $0xFFFF  }
0x16e: {  	_ =	shalt  }

</sc_bundles>
